<compile_context>
chip_gen: v7x
topology: tpu7x:2x2x1
jax: 0.10.2.dev20260603
libtpu: 0.0.44.dev20260713+nightly
codegen_flags: <defaults>
</compile_context>

<pallas_src>
import functools

import jax
import jax.numpy as jnp
from jax.experimental import pallas as pl
from jax.experimental.pallas import tpu as pltpu

N = 10000
NP = 10240
E = 320000
EC = 512
NCHUNK = E // EC
G = 64
K = 64
F = 128
TL = 3 * F + 1
FP = 512
NSLOT = G * K
SB = 256
RB = 256
T2 = 32
TV = 28


def _gcn_first(ec_ref, er_ref, h_ref, w_ref, b_ref, out_ref, deg_ref,
               hlin, acc, dacc):
    c = pl.program_id(0)

    @pl.when(c == 0)
    def _init():
        hlin[...] = jax.lax.dot_general(
            h_ref[...], w_ref[...], (((1,), (1,)), ((), ())),
            preferred_element_type=jnp.float32) + b_ref[...]
        acc[...] = jnp.zeros((NP, F), jnp.float32)
        dacc[...] = jnp.zeros((NP, 1), jnp.float32)

    src_col = ec_ref[0, :, 0:1]
    src_row = er_ref[0, 0:1, :]
    dst_row = er_ref[0, 1:2, :]
    lane_n = jax.lax.broadcasted_iota(jnp.int32, (EC, NP), 1)
    oh_src = (src_col == lane_n).astype(jnp.float32)
    g = jnp.dot(oh_src, hlin[...], preferred_element_type=jnp.float32)
    node_col = jax.lax.broadcasted_iota(jnp.int32, (NP, EC), 0)
    oh_dst_t = (node_col == dst_row).astype(jnp.float32)
    acc[...] += jnp.dot(oh_dst_t, g, preferred_element_type=jnp.float32)
    oh_src_t = (node_col == src_row).astype(jnp.float32)
    dacc[...] += jnp.sum(oh_src_t, axis=1, keepdims=True)

    @pl.when(c == NCHUNK - 1)
    def _fin():
        deg = dacc[...] + 1.0
        out_ref[...] = jnp.tanh((acc[...] + hlin[...]) / deg)
        deg_ref[...] = deg


def _gcn_next(ec_ref, er_ref, h_ref, w_ref, b_ref, deg_ref, out_ref,
              hlin, acc):
    c = pl.program_id(0)

    @pl.when(c == 0)
    def _init():
        hlin[...] = jax.lax.dot_general(
            h_ref[...], w_ref[...], (((1,), (1,)), ((), ())),
            preferred_element_type=jnp.float32) + b_ref[...]
        acc[...] = jnp.zeros((NP, F), jnp.float32)

    src_col = ec_ref[0, :, 0:1]
    dst_row = er_ref[0, 1:2, :]
    lane_n = jax.lax.broadcasted_iota(jnp.int32, (EC, NP), 1)
    oh_src = (src_col == lane_n).astype(jnp.float32)
    g = jnp.dot(oh_src, hlin[...], preferred_element_type=jnp.float32)
    node_col = jax.lax.broadcasted_iota(jnp.int32, (NP, EC), 0)
    oh_dst_t = (node_col == dst_row).astype(jnp.float32)
    acc[...] += jnp.dot(oh_dst_t, g, preferred_element_type=jnp.float32)

    @pl.when(c == NCHUNK - 1)
    def _fin():
        out_ref[...] = jnp.tanh((acc[...] + hlin[...]) / deg_ref[...])


def _rank_kernel(kc_ref, bc_ref, kr_ref, br_ref, rank_ref, racc):
    j = pl.program_id(0)

    @pl.when(j == 0)
    def _init():
        racc[...] = jnp.zeros((1, NP), jnp.float32)

    kc = kc_ref[...]
    bc = bc_ref[...]
    kr = kr_ref[...]
    br = br_ref[...]
    jidx = j * RB + jax.lax.broadcasted_iota(jnp.int32, (RB, 1), 0)
    iidx = jax.lax.broadcasted_iota(jnp.int32, (RB, NP), 1)
    beats = (kc > kr) | ((kc == kr) & (jidx < iidx))
    mask = (bc == br) & beats
    racc[...] += jnp.sum(mask.astype(jnp.float32), axis=0, keepdims=True)

    @pl.when(j == NP // RB - 1)
    def _fin():
        rank_ref[...] = racc[...]


def _select_kernel(rr_ref, br_ref, h1_ref, h2_ref, h3_ref, h4_ref, s_ref):
    b = pl.program_id(0)
    s = b * SB + jax.lax.broadcasted_iota(jnp.int32, (SB, 1), 0)
    par = jax.lax.shift_right_logical(s, 11)
    within = jax.lax.bitwise_and(s, 2047)
    gidx = jax.lax.shift_right_logical(within, 5)
    tidx = jax.lax.bitwise_and(within, 31)
    r = 2 * tidx + par
    oh = ((br_ref[...] == gidx) &
          (rr_ref[...] == r.astype(jnp.float32))).astype(jnp.float32)
    s_ref[:, 0:F] = jnp.dot(oh, h1_ref[...], preferred_element_type=jnp.float32)
    s_ref[:, F:2 * F] = jnp.dot(oh, h2_ref[...], preferred_element_type=jnp.float32)
    s_ref[:, 2 * F:3 * F] = jnp.dot(oh, h3_ref[...], preferred_element_type=jnp.float32)
    s_ref[:, 3 * F:4 * F] = jnp.dot(oh, h4_ref[...], preferred_element_type=jnp.float32)


def _tail_kernel(s_ref, wc1_ref, cb1_ref, w2_ref, cb2_ref, wr_ref, db1_ref,
                 w2t_ref, db2_ref, out_ref):
    s_even = s_ref[0:G * T2, :]
    s_odd = s_ref[G * T2:NSLOT, :]
    wc1 = wc1_ref[...]
    r1e = jnp.maximum(jnp.dot(s_even, wc1, preferred_element_type=jnp.float32)
                      + cb1_ref[...], 0.0)
    r1o = jnp.maximum(jnp.dot(s_odd, wc1, preferred_element_type=jnp.float32)
                      + cb1_ref[...], 0.0)
    pooled = jnp.maximum(r1e, r1o)
    c2 = jnp.zeros((G * T2, 32), jnp.float32)
    for dt in range(5):
        if dt == 0:
            sh = pooled
        else:
            sh = jnp.concatenate(
                [pooled[dt:, :], jnp.zeros((dt, 16), jnp.float32)], axis=0)
        c2 = c2 + jnp.dot(sh, w2_ref[dt, :, :],
                          preferred_element_type=jnp.float32)
    c2 = jnp.maximum(c2 + cb2_ref[...], 0.0)
    lane_gt = jax.lax.broadcasted_iota(jnp.int32, (G, G * T2), 1)
    grow = jax.lax.broadcasted_iota(jnp.int32, (G, G * T2), 0)
    racc = jnp.zeros((G, 32), jnp.float32)
    for t in range(TV):
        sel = (lane_gt == grow * T2 + t).astype(jnp.float32)
        ct = jnp.dot(sel, c2, preferred_element_type=jnp.float32)
        racc = racc + jnp.dot(ct, wr_ref[t, :, :],
                              preferred_element_type=jnp.float32)
    r1d = jnp.maximum(racc + db1_ref[...], 0.0)
    logits = jnp.dot(r1d, w2t_ref[...],
                     preferred_element_type=jnp.float32) + db2_ref[...]
    m = jnp.max(logits, axis=1, keepdims=True)
    e = jnp.exp(logits - m)
    out_ref[...] = e / jnp.sum(e, axis=1, keepdims=True)


def kernel(x, edge_index, batch, emb, W0, b0, W1, b1, W2, b2, W3, b3,
           conv1_w, conv1_b, conv2_w, conv2_b, d1_w, d1_b, d2_w, d2_b):
    f32 = jnp.float32
    h0 = emb[x].astype(f32)
    h0 = jnp.pad(h0, ((0, NP - N), (0, 0)))
    ec = edge_index.T.reshape(NCHUNK, EC, 2)
    er = edge_index.reshape(2, NCHUNK, EC).transpose(1, 0, 2)
    w3p = jnp.pad(W3, ((0, F - W3.shape[0]), (0, 0)))
    b3p = jnp.pad(b3, (0, F - b3.shape[0]))
    batch_p = jnp.pad(batch, (0, NP - N), constant_values=G)
    batch_row = batch_p.reshape(1, NP)
    batch_col = batch_p.reshape(NP, 1)

    espec_c = pl.BlockSpec((1, EC, 2), lambda c: (c, 0, 0))
    espec_r = pl.BlockSpec((1, 2, EC), lambda c: (c, 0, 0))
    full_h = pl.BlockSpec((NP, F), lambda c: (0, 0))
    full_w = pl.BlockSpec((F, F), lambda c: (0, 0))
    full_b = pl.BlockSpec((1, F), lambda c: (0, 0))
    full_d = pl.BlockSpec((NP, 1), lambda c: (0, 0))

    gcn1 = pl.pallas_call(
        _gcn_first,
        grid=(NCHUNK,),
        in_specs=[espec_c, espec_r, full_h, full_w, full_b],
        out_specs=[full_h, full_d],
        out_shape=[jax.ShapeDtypeStruct((NP, F), f32),
                   jax.ShapeDtypeStruct((NP, 1), f32)],
        scratch_shapes=[pltpu.VMEM((NP, F), f32),
                        pltpu.VMEM((NP, F), f32),
                        pltpu.VMEM((NP, 1), f32)],
    )
    h1, deg = gcn1(ec, er, h0, W0, b0.reshape(1, F))

    gcn_n = pl.pallas_call(
        _gcn_next,
        grid=(NCHUNK,),
        in_specs=[espec_c, espec_r, full_h, full_w, full_b, full_d],
        out_specs=full_h,
        out_shape=jax.ShapeDtypeStruct((NP, F), f32),
        scratch_shapes=[pltpu.VMEM((NP, F), f32),
                        pltpu.VMEM((NP, F), f32)],
    )
    h2 = gcn_n(ec, er, h1, W1, b1.reshape(1, F), deg)
    h3 = gcn_n(ec, er, h2, W2, b2.reshape(1, F), deg)
    h4 = gcn_n(ec, er, h3, w3p, b3p.reshape(1, F), deg)

    key_row = h4[:, 0].reshape(1, NP)
    key_col = h4[:, 0:1]

    rank = pl.pallas_call(
        _rank_kernel,
        grid=(NP // RB,),
        in_specs=[pl.BlockSpec((RB, 1), lambda j: (j, 0)),
                  pl.BlockSpec((RB, 1), lambda j: (j, 0)),
                  pl.BlockSpec((1, NP), lambda j: (0, 0)),
                  pl.BlockSpec((1, NP), lambda j: (0, 0))],
        out_specs=pl.BlockSpec((1, NP), lambda j: (0, 0)),
        out_shape=jax.ShapeDtypeStruct((1, NP), f32),
        scratch_shapes=[pltpu.VMEM((1, NP), f32)],
    )(key_col, batch_col, key_row, batch_row)

    s_mat = pl.pallas_call(
        _select_kernel,
        grid=(NSLOT // SB,),
        in_specs=[pl.BlockSpec((1, NP), lambda b: (0, 0)),
                  pl.BlockSpec((1, NP), lambda b: (0, 0)),
                  pl.BlockSpec((NP, F), lambda b: (0, 0)),
                  pl.BlockSpec((NP, F), lambda b: (0, 0)),
                  pl.BlockSpec((NP, F), lambda b: (0, 0)),
                  pl.BlockSpec((NP, F), lambda b: (0, 0))],
        out_specs=pl.BlockSpec((SB, FP), lambda b: (b, 0)),
        out_shape=jax.ShapeDtypeStruct((NSLOT, FP), f32),
    )(rank, batch_row, h1, h2, h3, h4)

    wc1 = jnp.zeros((FP, 16), f32)
    wc1 = wc1.at[0:TL, :].set(conv1_w[:, 0, :].T)
    w2s = conv2_w.transpose(2, 1, 0)
    wr = d1_w.reshape(32, 32, TV).transpose(2, 1, 0)

    out = pl.pallas_call(
        _tail_kernel,
        in_specs=[pl.BlockSpec((NSLOT, FP), lambda: (0, 0)),
                  pl.BlockSpec((FP, 16), lambda: (0, 0)),
                  pl.BlockSpec((1, 16), lambda: (0, 0)),
                  pl.BlockSpec((5, 16, 32), lambda: (0, 0, 0)),
                  pl.BlockSpec((1, 32), lambda: (0, 0)),
                  pl.BlockSpec((TV, 32, 32), lambda: (0, 0, 0)),
                  pl.BlockSpec((1, 32), lambda: (0, 0)),
                  pl.BlockSpec((32, 10), lambda: (0, 0)),
                  pl.BlockSpec((1, 10), lambda: (0, 0))],
        out_specs=pl.BlockSpec((G, 10), lambda: (0, 0)),
        out_shape=jax.ShapeDtypeStruct((G, 10), f32),
    )(s_mat, wc1, conv1_b.reshape(1, 16), w2s, conv2_b.reshape(1, 32),
      wr, d1_b.reshape(1, 32), d2_w.T, d2_b.reshape(1, 10))
    return out

# --- scband reference (transcript-rebuilt; emitter-appended) ---
"""Pipeline reference for scband-dgcnn-47004122088066 (READ-ONLY COPY).

The authoritative reference and input builder live on the scoring server;
editing this copy changes nothing except your own understanding.
"""

import jax, jax.numpy as jnp
import numpy as np

N_NODES = 10000
N_EDGES = 320000
N_GRAPHS = 64
EMB_DIM = 128
FEAT_DIM = 128
NUM_LAYERS = 3
K = 64
TOTAL_LATENT = NUM_LAYERS * FEAT_DIM + 1
DENSE_DIM = (K - 2) // 2 + 1
INPUT_DENSE_DIM = (DENSE_DIM - 5 + 1) * 32
DIM_TARGET = 10


def setup_inputs(seed: int = 0):
    key = jax.random.key(seed)
    ks = jax.random.split(key, 20)
    inp = {}
    inp['x'] = jnp.arange(N_NODES, dtype=jnp.int32)
    inp['edge_index'] = jax.random.randint(ks[0], (2, N_EDGES), 0, N_NODES, dtype=jnp.int32)
    inp['batch'] = jnp.sort(jax.random.randint(ks[1], (N_NODES,), 0, N_GRAPHS, dtype=jnp.int32))
    inp['emb'] = jax.random.normal(ks[2], (N_NODES, EMB_DIM), jnp.float32) * 0.02
    dims = [(EMB_DIM, FEAT_DIM), (FEAT_DIM, FEAT_DIM), (FEAT_DIM, FEAT_DIM), (FEAT_DIM, 1)]
    for i, (din, dout) in enumerate(dims):
        inp['W%d' % i] = jax.random.normal(ks[3 + i], (dout, din), jnp.float32) / np.sqrt(din)
        inp['b%d' % i] = jnp.zeros((dout,), jnp.float32)
    inp['conv1_w'] = jax.random.normal(ks[8], (16, 1, TOTAL_LATENT), jnp.float32) / np.sqrt(TOTAL_LATENT)
    inp['conv1_b'] = jnp.zeros((16,), jnp.float32)
    inp['conv2_w'] = jax.random.normal(ks[9], (32, 16, 5), jnp.float32) / np.sqrt(16 * 5)
    inp['conv2_b'] = jnp.zeros((32,), jnp.float32)
    inp['d1_w'] = jax.random.normal(ks[10], (DENSE_DIM, INPUT_DENSE_DIM), jnp.float32) / np.sqrt(INPUT_DENSE_DIM)
    inp['d1_b'] = jnp.zeros((DENSE_DIM,), jnp.float32)
    inp['d2_w'] = jax.random.normal(ks[11], (DIM_TARGET, DENSE_DIM), jnp.float32) / np.sqrt(DENSE_DIM)
    inp['d2_b'] = jnp.zeros((DIM_TARGET,), jnp.float32)
    return inp


def _dgcnn_conv(x, edge_index, W, b):
    n = x.shape[0]
    loops = jnp.arange(n, dtype=edge_index.dtype)
    ei = jnp.concatenate([edge_index, jnp.stack([loops, loops])], axis=1)
    h = x @ W.T + b
    src, dst = ei[0], ei[1]
    deg = jnp.zeros((n,), h.dtype).at[src].add(1.0)
    norm = (1.0 / deg)[dst]
    msg = norm[:, None] * h[src]
    return jnp.zeros((n, W.shape[0]), h.dtype).at[dst].add(msg)


def _global_sort_pool(x, batch, num_graphs, k):
    n, d = x.shape
    counts = jnp.bincount(batch, length=num_graphs)
    starts = jnp.concatenate([jnp.zeros((1,), counts.dtype), jnp.cumsum(counts)[:-1]])
    pos = jnp.arange(n) - starts[batch]
    maxc = max(n, k)
    dense = jnp.zeros((num_graphs, maxc, d), x.dtype).at[batch, pos].set(x)
    valid = jnp.zeros((num_graphs, maxc), dtype=bool).at[batch, pos].set(True)
    keyv = jnp.where(valid, dense[:, :, -1], -jnp.inf)
    order = jnp.argsort(-keyv, axis=1)
    sorted_x = jnp.take_along_axis(dense, order[:, :k, None], axis=1)
    return sorted_x.reshape(num_graphs, k * d)


def _conv1d(x, w, b, stride):
    out = jax.lax.conv_general_dilated(x, w, (stride,), 'VALID', dimension_numbers=('NCH', 'OIH', 'NCH'))
    return out + b[None, :, None]


def _maxpool1d(x):
    return jax.lax.reduce_window(x, -jnp.inf, jax.lax.max, (1, 1, 2), (1, 1, 2), 'VALID')


def reference(x, edge_index, batch, emb, W0, b0, W1, b1, W2, b2, W3, b3, conv1_w, conv1_b, conv2_w, conv2_b, d1_w, d1_b, d2_w, d2_b):
    h = emb[x]
    hs = []
    for W, b in ((W0, b0), (W1, b1), (W2, b2), (W3, b3)):
        h = jnp.tanh(_dgcnn_conv(h, edge_index, W, b))
        hs.append(h)
    xc = jnp.concatenate(hs, axis=1)
    x1d = _global_sort_pool(xc, batch, N_GRAPHS, K)
    x1d = x1d[:, None, :]
    r = jax.nn.relu(_conv1d(x1d, conv1_w, conv1_b, TOTAL_LATENT))
    r = _maxpool1d(r)
    r = jax.nn.relu(_conv1d(r, conv2_w, conv2_b, 1))
    r = r.reshape(r.shape[0], -1)
    r = jax.nn.relu(r @ d1_w.T + d1_b)
    r = r @ d2_w.T + d2_b
    return jax.nn.softmax(r, axis=-1)

if __name__ == "__main__":
    import jax
    _d = setup_inputs()
    print(jax.jit(kernel)(*tuple(_d.values())))

</pallas_src>

<mosaic_0001>
module attributes {stable_mosaic.version = 14 : i64} {
  func.func @_gcn_first(%arg0: i32, %arg1: memref<1x512x2xi32, #tpu.memory_space<vmem>>, %arg2: memref<1x2x512xi32, #tpu.memory_space<vmem>>, %arg3: memref<10240x128xf32, #tpu.memory_space<vmem>>, %arg4: memref<128x128xf32, #tpu.memory_space<vmem>>, %arg5: memref<1x128xf32, #tpu.memory_space<vmem>>, %arg6: memref<10240x128xf32, #tpu.memory_space<vmem>>, %arg7: memref<10240x1xf32, #tpu.memory_space<vmem>>, %arg8: memref<10240x128xf32, #tpu.memory_space<vmem>>, %arg9: memref<10240x128xf32, #tpu.memory_space<vmem>>, %arg10: memref<10240x1xf32, #tpu.memory_space<vmem>>) attributes {dimension_semantics = [#tpu.dimension_semantics<arbitrary>], iteration_bounds = array<i64: 625>, scalar_prefetch = 0 : i64, scratch_operands = 3 : i64, tpu.core_type = #tpu.core_type<tc>, window_params = [{transform_indices = @transform_0, window_bounds = array<i64: 1, 512, 2>}, {transform_indices = @transform_1, window_bounds = array<i64: 1, 2, 512>}, {pipeline_mode = #tpu.pipeline_mode<synchronous>, transform_indices = @transform_2, window_bounds = array<i64: 10240, 128>}, {pipeline_mode = #tpu.pipeline_mode<synchronous>, transform_indices = @transform_3, window_bounds = array<i64: 128, 128>}, {pipeline_mode = #tpu.pipeline_mode<synchronous>, transform_indices = @transform_4, window_bounds = array<i64: 1, 128>}, {pipeline_mode = #tpu.pipeline_mode<synchronous>, transform_indices = @transform_5, window_bounds = array<i64: 10240, 128>}, {pipeline_mode = #tpu.pipeline_mode<synchronous>, transform_indices = @transform_6, window_bounds = array<i64: 10240, 1>}]} {
    %eq3A = arith.constant 0 : i32
    %eq3A_0 = arith.cmpi eq, %arg0, %eq3A : i32
    %convert_element_type3A = arith.extui %eq3A_0 : i1 to i32
    %cond3A = arith.constant 0 : i32
    %cond3A_1 = arith.cmpi ne, %convert_element_type3A, %cond3A : i32
    scf.if %cond3A_1 {
      %get3A_53 = arith.constant 0 : index
      %get3A_54 = arith.constant 0 : index
      %get3A_55 = vector.load %arg3[%get3A_53, %get3A_54] : memref<10240x128xf32, #tpu.memory_space<vmem>>, vector<10240x128xf32>
      %get3A_56 = arith.constant 0 : index
      %get3A_57 = arith.constant 0 : index
      %get3A_58 = vector.load %arg4[%get3A_56, %get3A_57] : memref<128x128xf32, #tpu.memory_space<vmem>>, vector<128x128xf32>
      %dot_general3A_59 = arith.constant dense<0.000000e+00> : vector<10240x128xf32>
      %dot_general3A_60 = tpu.matmul %get3A_55, %get3A_58, %dot_general3A_59 {dimension_numbers = #tpu.dot_dimension_numbers<[1], [1], [0], [0], [0, 0, 1, 0], [], []>, transpose_lhs_hint = false} : vector<10240x128xf32>, vector<128x128xf32>, vector<10240x128xf32> -> vector<10240x128xf32>
      %get3A_61 = arith.constant 0 : index
      %get3A_62 = arith.constant 0 : index
      %get3A_63 = vector.load %arg5[%get3A_61, %get3A_62] : memref<1x128xf32, #tpu.memory_space<vmem>>, vector<1x128xf32>
      %add3A_64 = vector.broadcast %get3A_63 : vector<1x128xf32> to vector<10240x128xf32>
      %add3A_65 = arith.addf %dot_general3A_60, %add3A_64 : vector<10240x128xf32>
      %swap3A_66 = arith.constant 0 : index
      %swap3A_67 = arith.constant 0 : index
      %swap3A_68 = vector.load %arg8[%swap3A_66, %swap3A_67] : memref<10240x128xf32, #tpu.memory_space<vmem>>, vector<10240x128xf32>
      tpu.vector_store %arg8[%swap3A_66, %swap3A_67], %add3A_65 {strides = array<i32>} : memref<10240x128xf32, #tpu.memory_space<vmem>>, vector<10240x128xf32>,
      %broadcast_in_dim3A_69 = arith.constant 0.000000e+00 : f32
      %broadcast_in_dim3A_70 = vector.broadcast %broadcast_in_dim3A_69 : f32 to vector<10240x128xf32>
      %swap3A_71 = arith.constant 0 : index
      %swap3A_72 = arith.constant 0 : index
      %swap3A_73 = vector.load %arg9[%swap3A_71, %swap3A_72] : memref<10240x128xf32, #tpu.memory_space<vmem>>, vector<10240x128xf32>
      tpu.vector_store %arg9[%swap3A_71, %swap3A_72], %broadcast_in_dim3A_70 {strides = array<i32>} : memref<10240x128xf32, #tpu.memory_space<vmem>>, vector<10240x128xf32>,
      %broadcast_in_dim3A_74 = arith.constant 0.000000e+00 : f32
      %broadcast_in_dim3A_75 = vector.broadcast %broadcast_in_dim3A_74 : f32 to vector<10240x1xf32>
      %swap3A_76 = arith.constant 0 : index
      %swap3A_77 = arith.constant 0 : index
      %swap3A_78 = vector.load %arg10[%swap3A_76, %swap3A_77] : memref<10240x1xf32, #tpu.memory_space<vmem>>, vector<10240x1xf32>
      tpu.vector_store %arg10[%swap3A_76, %swap3A_77], %broadcast_in_dim3A_75 {strides = array<i32>} : memref<10240x1xf32, #tpu.memory_space<vmem>>, vector<10240x1xf32>,
    } else {
    }
    %get3A = arith.constant 0 : index
    %get3A_2 = arith.constant 0 : index
    %get3A_3 = arith.constant 0 : index
    %get3A_4 = vector.load %arg1[%get3A, %get3A_2, %get3A_3] : memref<1x512x2xi32, #tpu.memory_space<vmem>>, vector<1x512x1xi32>
    %get3A_5 = vector.shape_cast %get3A_4 : vector<1x512x1xi32> to vector<512x1xi32>
    %get3A_6 = arith.constant 0 : index
    %get3A_7 = arith.constant 0 : index
    %get3A_8 = arith.constant 0 : index
    %get3A_9 = vector.load %arg2[%get3A_6, %get3A_7, %get3A_8] : memref<1x2x512xi32, #tpu.memory_space<vmem>>, vector<1x1x512xi32>
    %get3A_10 = vector.shape_cast %get3A_9 : vector<1x1x512xi32> to vector<1x512xi32>
    %get3A_11 = arith.constant 0 : index
    %get3A_12 = arith.constant 1 : index
    %get3A_13 = arith.constant 0 : index
    %get3A_14 = vector.load %arg2[%get3A_11, %get3A_12, %get3A_13] : memref<1x2x512xi32, #tpu.memory_space<vmem>>, vector<1x1x512xi32>
    %get3A_15 = vector.shape_cast %get3A_14 : vector<1x1x512xi32> to vector<1x512xi32>
    %iota3A = tpu.iota {dimensions = array<i32: 1>} : vector<512x10240xi32>
    %eq3A_16 = vector.broadcast %get3A_5 : vector<512x1xi32> to vector<512x10240xi32>
    %eq3A_17 = arith.cmpi eq, %eq3A_16, %iota3A : vector<512x10240xi32>
    %convert_element_type3A_18 = arith.extui %eq3A_17 : vector<512x10240xi1> to vector<512x10240xi32>
    %convert_element_type3A_19 = arith.sitofp %convert_element_type3A_18 : vector<512x10240xi32> to vector<512x10240xf32>
    %get3A_20 = arith.constant 0 : index
    %get3A_21 = arith.constant 0 : index
    %get3A_22 = vector.load %arg8[%get3A_20, %get3A_21] : memref<10240x128xf32, #tpu.memory_space<vmem>>, vector<10240x128xf32>
    %dot_general3A = arith.constant dense<0.000000e+00> : vector<512x128xf32>
    %dot_general3A_23 = tpu.matmul %convert_element_type3A_19, %get3A_22, %dot_general3A {dimension_numbers = #tpu.dot_dimension_numbers<[1], [0], [0], [1], [0, 0, 1, 1], [], []>, transpose_lhs_hint = false} : vector<512x10240xf32>, vector<10240x128xf32>, vector<512x128xf32> -> vector<512x128xf32>
    %iota3A_24 = tpu.iota {dimensions = array<i32: 0>} : vector<10240x512xi32>
    %eq3A_25 = vector.broadcast %get3A_15 : vector<1x512xi32> to vector<10240x512xi32>
    %eq3A_26 = arith.cmpi eq, %iota3A_24, %eq3A_25 : vector<10240x512xi32>
    %convert_element_type3A_27 = arith.extui %eq3A_26 : vector<10240x512xi1> to vector<10240x512xi32>
    %convert_element_type3A_28 = arith.sitofp %convert_element_type3A_27 : vector<10240x512xi32> to vector<10240x512xf32>
    %get3A_29 = arith.constant 0 : index
    %get3A_30 = arith.constant 0 : index
    %get3A_31 = vector.load %arg9[%get3A_29, %get3A_30] : memref<10240x128xf32, #tpu.memory_space<vmem>>, vector<10240x128xf32>
    %dot_general3A_32 = arith.constant dense<0.000000e+00> : vector<10240x128xf32>
    %dot_general3A_33 = tpu.matmul %convert_element_type3A_28, %dot_general3A_23, %dot_general3A_32 {dimension_numbers = #tpu.dot_dimension_numbers<[1], [0], [0], [1], [0, 0, 1, 1], [], []>, transpose_lhs_hint = false} : vector<10240x512xf32>, vector<512x128xf32>, vector<10240x128xf32> -> vector<10240x128xf32>
    %add3A = arith.addf %get3A_31, %dot_general3A_33 : vector<10240x128xf32>
    %swap3A = arith.constant 0 : index
    %swap3A_34 = arith.constant 0 : index
    %swap3A_35 = vector.load %arg9[%swap3A, %swap3A_34] : memref<10240x128xf32, #tpu.memory_space<vmem>>, vector<10240x128xf32>
    tpu.vector_store %arg9[%swap3A, %swap3A_34], %add3A {strides = array<i32>} : memref<10240x128xf32, #tpu.memory_space<vmem>>, vector<10240x128xf32>,
    %eq3A_36 = vector.broadcast %get3A_10 : vector<1x512xi32> to vector<10240x512xi32>
    %eq3A_37 = arith.cmpi eq, %iota3A_24, %eq3A_36 : vector<10240x512xi32>
    %convert_element_type3A_38 = arith.extui %eq3A_37 : vector<10240x512xi1> to vector<10240x512xi32>
    %convert_element_type3A_39 = arith.sitofp %convert_element_type3A_38 : vector<10240x512xi32> to vector<10240x512xf32>
    %get3A_40 = arith.constant 0 : index
    %get3A_41 = arith.constant 0 : index
    %get3A_42 = vector.load %arg10[%get3A_40, %get3A_41] : memref<10240x1xf32, #tpu.memory_space<vmem>>, vector<10240x1xf32>
    %reduce_sum3A = arith.constant dense<0.000000e+00> : vector<10240xf32>
    %reduce_sum3A_43 = vector.multi_reduction <add>, %convert_element_type3A_39, %reduce_sum3A [1] : vector<10240x512xf32> to vector<10240xf32>
    %broadcast_in_dim3A = vector.shape_cast %reduce_sum3A_43 : vector<10240xf32> to vector<10240x1xf32>
    %add3A_44 = arith.addf %get3A_42, %broadcast_in_dim3A : vector<10240x1xf32>
    %swap3A_45 = arith.constant 0 : index
    %swap3A_46 = arith.constant 0 : index
    %swap3A_47 = vector.load %arg10[%swap3A_45, %swap3A_46] : memref<10240x1xf32, #tpu.memory_space<vmem>>, vector<10240x1xf32>
    tpu.vector_store %arg10[%swap3A_45, %swap3A_46], %add3A_44 {strides = array<i32>} : memref<10240x1xf32, #tpu.memory_space<vmem>>, vector<10240x1xf32>,
    %eq3A_48 = arith.constant 624 : i32
    %eq3A_49 = arith.cmpi eq, %arg0, %eq3A_48 : i32
    %convert_element_type3A_50 = arith.extui %eq3A_49 : i1 to i32
    %cond3A_51 = arith.constant 0 : i32
    %cond3A_52 = arith.cmpi ne, %convert_element_type3A_50, %cond3A_51 : i32
    scf.if %cond3A_52 {
      %get3A_53 = arith.constant 0 : index
      %get3A_54 = arith.constant 0 : index
      %get3A_55 = vector.load %arg10[%get3A_53, %get3A_54] : memref<10240x1xf32, #tpu.memory_space<vmem>>, vector<10240x1xf32>
      %add3A_56 = arith.constant 1.000000e+00 : f32
      %add3A_57 = vector.broadcast %add3A_56 : f32 to vector<10240x1xf32>
      %add3A_58 = arith.addf %get3A_55, %add3A_57 : vector<10240x1xf32>
      %get3A_59 = arith.constant 0 : index
      %get3A_60 = arith.constant 0 : index
      %get3A_61 = vector.load %arg9[%get3A_59, %get3A_60] : memref<10240x128xf32, #tpu.memory_space<vmem>>, vector<10240x128xf32>
      %get3A_62 = arith.constant 0 : index
      %get3A_63 = arith.constant 0 : index
      %get3A_64 = vector.load %arg8[%get3A_62, %get3A_63] : memref<10240x128xf32, #tpu.memory_space<vmem>>, vector<10240x128xf32>
      %add3A_65 = arith.addf %get3A_61, %get3A_64 : vector<10240x128xf32>
      %div3A = vector.broadcast %add3A_58 : vector<10240x1xf32> to vector<10240x128xf32>
      %div3A_66 = arith.divf %add3A_65, %div3A : vector<10240x128xf32>
      %tanh3A = math.tanh %div3A_66 : vector<10240x128xf32>
      %swap3A_67 = arith.constant 0 : index
      %swap3A_68 = arith.constant 0 : index
      %swap3A_69 = vector.load %arg6[%swap3A_67, %swap3A_68] : memref<10240x128xf32, #tpu.memory_space<vmem>>, vector<10240x128xf32>
      tpu.vector_store %arg6[%swap3A_67, %swap3A_68], %tanh3A {strides = array<i32>} : memref<10240x128xf32, #tpu.memory_space<vmem>>, vector<10240x128xf32>,
      %swap3A_70 = arith.constant 0 : index
      %swap3A_71 = arith.constant 0 : index
      %swap3A_72 = vector.load %arg7[%swap3A_70, %swap3A_71] : memref<10240x1xf32, #tpu.memory_space<vmem>>, vector<10240x1xf32>
      tpu.vector_store %arg7[%swap3A_70, %swap3A_71], %add3A_58 {strides = array<i32>} : memref<10240x1xf32, #tpu.memory_space<vmem>>, vector<10240x1xf32>,
    } else {
    }
    return
  }
  func.func @transform_0(%arg0: i32) -> (i32, i32, i32) {
    %c0_i32 = arith.constant 0 : i32
    %c0_i32_0 = arith.constant 0 : i32
    %c0_i32_1 = arith.constant 0 : i32
    return %arg0, %c0_i32, %c0_i32_0 : i32, i32, i32
  }
  func.func @transform_1(%arg0: i32) -> (i32, i32, i32) {
    %c0_i32 = arith.constant 0 : i32
    %c0_i32_0 = arith.constant 0 : i32
    %c0_i32_1 = arith.constant 0 : i32
    return %arg0, %c0_i32, %c0_i32_0 : i32, i32, i32
  }
  func.func @transform_2(%arg0: i32) -> (i32, i32) {
    %c0_i32 = arith.constant 0 : i32
    %c0_i32_0 = arith.constant 0 : i32
    %c0_i32_1 = arith.constant 0 : i32
    return %c0_i32, %c0_i32_0 : i32, i32
  }
  func.func @transform_3(%arg0: i32) -> (i32, i32) {
    %c0_i32 = arith.constant 0 : i32
    %c0_i32_0 = arith.constant 0 : i32
    %c0_i32_1 = arith.constant 0 : i32
    return %c0_i32, %c0_i32_0 : i32, i32
  }
  func.func @transform_4(%arg0: i32) -> (i32, i32) {
    %c0_i32 = arith.constant 0 : i32
    %c0_i32_0 = arith.constant 0 : i32
    %c0_i32_1 = arith.constant 0 : i32
    return %c0_i32, %c0_i32_0 : i32, i32
  }
  func.func @transform_5(%arg0: i32) -> (i32, i32) {
    %c0_i32 = arith.constant 0 : i32
    %c0_i32_0 = arith.constant 0 : i32
    %c0_i32_1 = arith.constant 0 : i32
    return %c0_i32, %c0_i32_0 : i32, i32
  }
  func.func @transform_6(%arg0: i32) -> (i32, i32) {
    %c0_i32 = arith.constant 0 : i32
    %c0_i32_0 = arith.constant 0 : i32
    %c0_i32_1 = arith.constant 0 : i32
    return %c0_i32, %c0_i32_0 : i32, i32
  }
}

module attributes {stable_mosaic.version = 14 : i64} {
  func.func @_gcn_next(%arg0: i32, %arg1: memref<1x512x2xi32, #tpu.memory_space<vmem>>, %arg2: memref<1x2x512xi32, #tpu.memory_space<vmem>>, %arg3: memref<10240x128xf32, #tpu.memory_space<vmem>>, %arg4: memref<128x128xf32, #tpu.memory_space<vmem>>, %arg5: memref<1x128xf32, #tpu.memory_space<vmem>>, %arg6: memref<10240x1xf32, #tpu.memory_space<vmem>>, %arg7: memref<10240x128xf32, #tpu.memory_space<vmem>>, %arg8: memref<10240x128xf32, #tpu.memory_space<vmem>>, %arg9: memref<10240x128xf32, #tpu.memory_space<vmem>>) attributes {dimension_semantics = [#tpu.dimension_semantics<arbitrary>], iteration_bounds = array<i64: 625>, scalar_prefetch = 0 : i64, scratch_operands = 2 : i64, tpu.core_type = #tpu.core_type<tc>, window_params = [{transform_indices = @transform_0, window_bounds = array<i64: 1, 512, 2>}, {transform_indices = @transform_1, window_bounds = array<i64: 1, 2, 512>}, {pipeline_mode = #tpu.pipeline_mode<synchronous>, transform_indices = @transform_2, window_bounds = array<i64: 10240, 128>}, {pipeline_mode = #tpu.pipeline_mode<synchronous>, transform_indices = @transform_3, window_bounds = array<i64: 128, 128>}, {pipeline_mode = #tpu.pipeline_mode<synchronous>, transform_indices = @transform_4, window_bounds = array<i64: 1, 128>}, {pipeline_mode = #tpu.pipeline_mode<synchronous>, transform_indices = @transform_5, window_bounds = array<i64: 10240, 1>}, {pipeline_mode = #tpu.pipeline_mode<synchronous>, transform_indices = @transform_6, window_bounds = array<i64: 10240, 128>}]} {
    %eq3A = arith.constant 0 : i32
    %eq3A_0 = arith.cmpi eq, %arg0, %eq3A : i32
    %convert_element_type3A = arith.extui %eq3A_0 : i1 to i32
    %cond3A = arith.constant 0 : i32
    %cond3A_1 = arith.cmpi ne, %convert_element_type3A, %cond3A : i32
    scf.if %cond3A_1 {
      %get3A_36 = arith.constant 0 : index
      %get3A_37 = arith.constant 0 : index
      %get3A_38 = vector.load %arg3[%get3A_36, %get3A_37] : memref<10240x128xf32, #tpu.memory_space<vmem>>, vector<10240x128xf32>
      %get3A_39 = arith.constant 0 : index
      %get3A_40 = arith.constant 0 : index
      %get3A_41 = vector.load %arg4[%get3A_39, %get3A_40] : memref<128x128xf32, #tpu.memory_space<vmem>>, vector<128x128xf32>
      %dot_general3A_42 = arith.constant dense<0.000000e+00> : vector<10240x128xf32>
      %dot_general3A_43 = tpu.matmul %get3A_38, %get3A_41, %dot_general3A_42 {dimension_numbers = #tpu.dot_dimension_numbers<[1], [1], [0], [0], [0, 0, 1, 0], [], []>, transpose_lhs_hint = false} : vector<10240x128xf32>, vector<128x128xf32>, vector<10240x128xf32> -> vector<10240x128xf32>
      %get3A_44 = arith.constant 0 : index
      %get3A_45 = arith.constant 0 : index
      %get3A_46 = vector.load %arg5[%get3A_44, %get3A_45] : memref<1x128xf32, #tpu.memory_space<vmem>>, vector<1x128xf32>
      %add3A_47 = vector.broadcast %get3A_46 : vector<1x128xf32> to vector<10240x128xf32>
      %add3A_48 = arith.addf %dot_general3A_43, %add3A_47 : vector<10240x128xf32>
      %swap3A_49 = arith.constant 0 : index
      %swap3A_50 = arith.constant 0 : index
      %swap3A_51 = vector.load %arg8[%swap3A_49, %swap3A_50] : memref<10240x128xf32, #tpu.memory_space<vmem>>, vector<10240x128xf32>
      tpu.vector_store %arg8[%swap3A_49, %swap3A_50], %add3A_48 {strides = array<i32>} : memref<10240x128xf32, #tpu.memory_space<vmem>>, vector<10240x128xf32>,
      %broadcast_in_dim3A = arith.constant 0.000000e+00 : f32
      %broadcast_in_dim3A_52 = vector.broadcast %broadcast_in_dim3A : f32 to vector<10240x128xf32>
      %swap3A_53 = arith.constant 0 : index
      %swap3A_54 = arith.constant 0 : index
      %swap3A_55 = vector.load %arg9[%swap3A_53, %swap3A_54] : memref<10240x128xf32, #tpu.memory_space<vmem>>, vector<10240x128xf32>
      tpu.vector_store %arg9[%swap3A_53, %swap3A_54], %broadcast_in_dim3A_52 {strides = array<i32>} : memref<10240x128xf32, #tpu.memory_space<vmem>>, vector<10240x128xf32>,
    } else {
    }
    %get3A = arith.constant 0 : index
    %get3A_2 = arith.constant 0 : index
    %get3A_3 = arith.constant 0 : index
    %get3A_4 = vector.load %arg1[%get3A, %get3A_2, %get3A_3] : memref<1x512x2xi32, #tpu.memory_space<vmem>>, vector<1x512x1xi32>
    %get3A_5 = vector.shape_cast %get3A_4 : vector<1x512x1xi32> to vector<512x1xi32>
    %get3A_6 = arith.constant 0 : index
    %get3A_7 = arith.constant 1 : index
    %get3A_8 = arith.constant 0 : index
    %get3A_9 = vector.load %arg2[%get3A_6, %get3A_7, %get3A_8] : memref<1x2x512xi32, #tpu.memory_space<vmem>>, vector<1x1x512xi32>
    %get3A_10 = vector.shape_cast %get3A_9 : vector<1x1x512xi32> to vector<1x512xi32>
    %iota3A = tpu.iota {dimensions = array<i32: 1>} : vector<512x10240xi32>
    %eq3A_11 = vector.broadcast %get3A_5 : vector<512x1xi32> to vector<512x10240xi32>
    %eq3A_12 = arith.cmpi eq, %eq3A_11, %iota3A : vector<512x10240xi32>
    %convert_element_type3A_13 = arith.extui %eq3A_12 : vector<512x10240xi1> to vector<512x10240xi32>
    %convert_element_type3A_14 = arith.sitofp %convert_element_type3A_13 : vector<512x10240xi32> to vector<512x10240xf32>
    %get3A_15 = arith.constant 0 : index
    %get3A_16 = arith.constant 0 : index
    %get3A_17 = vector.load %arg8[%get3A_15, %get3A_16] : memref<10240x128xf32, #tpu.memory_space<vmem>>, vector<10240x128xf32>
    %dot_general3A = arith.constant dense<0.000000e+00> : vector<512x128xf32>
    %dot_general3A_18 = tpu.matmul %convert_element_type3A_14, %get3A_17, %dot_general3A {dimension_numbers = #tpu.dot_dimension_numbers<[1], [0], [0], [1], [0, 0, 1, 1], [], []>, transpose_lhs_hint = false} : vector<512x10240xf32>, vector<10240x128xf32>, vector<512x128xf32> -> vector<512x128xf32>
    %iota3A_19 = tpu.iota {dimensions = array<i32: 0>} : vector<10240x512xi32>
    %eq3A_20 = vector.broadcast %get3A_10 : vector<1x512xi32> to vector<10240x512xi32>
    %eq3A_21 = arith.cmpi eq, %iota3A_19, %eq3A_20 : vector<10240x512xi32>
    %convert_element_type3A_22 = arith.extui %eq3A_21 : vector<10240x512xi1> to vector<10240x512xi32>
    %convert_element_type3A_23 = arith.sitofp %convert_element_type3A_22 : vector<10240x512xi32> to vector<10240x512xf32>
    %get3A_24 = arith.constant 0 : index
    %get3A_25 = arith.constant 0 : index
    %get3A_26 = vector.load %arg9[%get3A_24, %get3A_25] : memref<10240x128xf32, #tpu.memory_space<vmem>>, vector<10240x128xf32>
    %dot_general3A_27 = arith.constant dense<0.000000e+00> : vector<10240x128xf32>
    %dot_general3A_28 = tpu.matmul %convert_element_type3A_23, %dot_general3A_18, %dot_general3A_27 {dimension_numbers = #tpu.dot_dimension_numbers<[1], [0], [0], [1], [0, 0, 1, 1], [], []>, transpose_lhs_hint = false} : vector<10240x512xf32>, vector<512x128xf32>, vector<10240x128xf32> -> vector<10240x128xf32>
    %add3A = arith.addf %get3A_26, %dot_general3A_28 : vector<10240x128xf32>
    %swap3A = arith.constant 0 : index
    %swap3A_29 = arith.constant 0 : index
    %swap3A_30 = vector.load %arg9[%swap3A, %swap3A_29] : memref<10240x128xf32, #tpu.memory_space<vmem>>, vector<10240x128xf32>
    tpu.vector_store %arg9[%swap3A, %swap3A_29], %add3A {strides = array<i32>} : memref<10240x128xf32, #tpu.memory_space<vmem>>, vector<10240x128xf32>,
    %eq3A_31 = arith.constant 624 : i32
    %eq3A_32 = arith.cmpi eq, %arg0, %eq3A_31 : i32
    %convert_element_type3A_33 = arith.extui %eq3A_32 : i1 to i32
    %cond3A_34 = arith.constant 0 : i32
    %cond3A_35 = arith.cmpi ne, %convert_element_type3A_33, %cond3A_34 : i32
    scf.if %cond3A_35 {
      %get3A_36 = arith.constant 0 : index
      %get3A_37 = arith.constant 0 : index
      %get3A_38 = vector.load %arg9[%get3A_36, %get3A_37] : memref<10240x128xf32, #tpu.memory_space<vmem>>, vector<10240x128xf32>
      %get3A_39 = arith.constant 0 : index
      %get3A_40 = arith.constant 0 : index
      %get3A_41 = vector.load %arg8[%get3A_39, %get3A_40] : memref<10240x128xf32, #tpu.memory_space<vmem>>, vector<10240x128xf32>
      %add3A_42 = arith.addf %get3A_38, %get3A_41 : vector<10240x128xf32>
      %get3A_43 = arith.constant 0 : index
      %get3A_44 = arith.constant 0 : index
      %get3A_45 = vector.load %arg6[%get3A_43, %get3A_44] : memref<10240x1xf32, #tpu.memory_space<vmem>>, vector<10240x1xf32>
      %div3A = vector.broadcast %get3A_45 : vector<10240x1xf32> to vector<10240x128xf32>
      %div3A_46 = arith.divf %add3A_42, %div3A : vector<10240x128xf32>
      %tanh3A = math.tanh %div3A_46 : vector<10240x128xf32>
      %swap3A_47 = arith.constant 0 : index
      %swap3A_48 = arith.constant 0 : index
      %swap3A_49 = vector.load %arg7[%swap3A_47, %swap3A_48] : memref<10240x128xf32, #tpu.memory_space<vmem>>, vector<10240x128xf32>
      tpu.vector_store %arg7[%swap3A_47, %swap3A_48], %tanh3A {strides = array<i32>} : memref<10240x128xf32, #tpu.memory_space<vmem>>, vector<10240x128xf32>,
    } else {
    }
    return
  }
  func.func @transform_0(%arg0: i32) -> (i32, i32, i32) {
    %c0_i32 = arith.constant 0 : i32
    %c0_i32_0 = arith.constant 0 : i32
    %c0_i32_1 = arith.constant 0 : i32
    return %arg0, %c0_i32, %c0_i32_0 : i32, i32, i32
  }
  func.func @transform_1(%arg0: i32) -> (i32, i32, i32) {
    %c0_i32 = arith.constant 0 : i32
    %c0_i32_0 = arith.constant 0 : i32
    %c0_i32_1 = arith.constant 0 : i32
    return %arg0, %c0_i32, %c0_i32_0 : i32, i32, i32
  }
  func.func @transform_2(%arg0: i32) -> (i32, i32) {
    %c0_i32 = arith.constant 0 : i32
    %c0_i32_0 = arith.constant 0 : i32
    %c0_i32_1 = arith.constant 0 : i32
    return %c0_i32, %c0_i32_0 : i32, i32
  }
  func.func @transform_3(%arg0: i32) -> (i32, i32) {
    %c0_i32 = arith.constant 0 : i32
    %c0_i32_0 = arith.constant 0 : i32
    %c0_i32_1 = arith.constant 0 : i32
    return %c0_i32, %c0_i32_0 : i32, i32
  }
  func.func @transform_4(%arg0: i32) -> (i32, i32) {
    %c0_i32 = arith.constant 0 : i32
    %c0_i32_0 = arith.constant 0 : i32
    %c0_i32_1 = arith.constant 0 : i32
    return %c0_i32, %c0_i32_0 : i32, i32
  }
  func.func @transform_5(%arg0: i32) -> (i32, i32) {
    %c0_i32 = arith.constant 0 : i32
    %c0_i32_0 = arith.constant 0 : i32
    %c0_i32_1 = arith.constant 0 : i32
    return %c0_i32, %c0_i32_0 : i32, i32
  }
  func.func @transform_6(%arg0: i32) -> (i32, i32) {
    %c0_i32 = arith.constant 0 : i32
    %c0_i32_0 = arith.constant 0 : i32
    %c0_i32_1 = arith.constant 0 : i32
    return %c0_i32, %c0_i32_0 : i32, i32
  }
}

module attributes {stable_mosaic.version = 14 : i64} {
  func.func @_rank_kernel(%arg0: i32, %arg1: memref<256x1xf32, #tpu.memory_space<vmem>>, %arg2: memref<256x1xi32, #tpu.memory_space<vmem>>, %arg3: memref<1x10240xf32, #tpu.memory_space<vmem>>, %arg4: memref<1x10240xi32, #tpu.memory_space<vmem>>, %arg5: memref<1x10240xf32, #tpu.memory_space<vmem>>, %arg6: memref<1x10240xf32, #tpu.memory_space<vmem>>) attributes {dimension_semantics = [#tpu.dimension_semantics<arbitrary>], iteration_bounds = array<i64: 40>, scalar_prefetch = 0 : i64, scratch_operands = 1 : i64, tpu.core_type = #tpu.core_type<tc>, window_params = [{transform_indices = @transform_0, window_bounds = array<i64: 256, 1>}, {transform_indices = @transform_1, window_bounds = array<i64: 256, 1>}, {pipeline_mode = #tpu.pipeline_mode<synchronous>, transform_indices = @transform_2, window_bounds = array<i64: 1, 10240>}, {pipeline_mode = #tpu.pipeline_mode<synchronous>, transform_indices = @transform_3, window_bounds = array<i64: 1, 10240>}, {pipeline_mode = #tpu.pipeline_mode<synchronous>, transform_indices = @transform_4, window_bounds = array<i64: 1, 10240>}]} {
    %eq3A = arith.constant 0 : i32
    %eq3A_0 = arith.cmpi eq, %arg0, %eq3A : i32
    %convert_element_type3A = arith.extui %eq3A_0 : i1 to i32
    %cond3A = arith.constant 0 : i32
    %cond3A_1 = arith.cmpi ne, %convert_element_type3A, %cond3A : i32
    scf.if %cond3A_1 {
      %broadcast_in_dim3A_40 = arith.constant 0.000000e+00 : f32
      %broadcast_in_dim3A_41 = vector.broadcast %broadcast_in_dim3A_40 : f32 to vector<1x10240xf32>
      %swap3A_42 = arith.constant 0 : index
      %swap3A_43 = arith.constant 0 : index
      %swap3A_44 = vector.load %arg6[%swap3A_42, %swap3A_43] : memref<1x10240xf32, #tpu.memory_space<vmem>>, vector<1x10240xf32>
      tpu.vector_store %arg6[%swap3A_42, %swap3A_43], %broadcast_in_dim3A_41 {strides = array<i32>} : memref<1x10240xf32, #tpu.memory_space<vmem>>, vector<1x10240xf32>,
    } else {
    }
    %get3A = arith.constant 0 : index
    %get3A_2 = arith.constant 0 : index
    %get3A_3 = vector.load %arg1[%get3A, %get3A_2] : memref<256x1xf32, #tpu.memory_space<vmem>>, vector<256x1xf32>
    %get3A_4 = arith.constant 0 : index
    %get3A_5 = arith.constant 0 : index
    %get3A_6 = vector.load %arg2[%get3A_4, %get3A_5] : memref<256x1xi32, #tpu.memory_space<vmem>>, vector<256x1xi32>
    %get3A_7 = arith.constant 0 : index
    %get3A_8 = arith.constant 0 : index
    %get3A_9 = vector.load %arg3[%get3A_7, %get3A_8] : memref<1x10240xf32, #tpu.memory_space<vmem>>, vector<1x10240xf32>
    %get3A_10 = arith.constant 0 : index
    %get3A_11 = arith.constant 0 : index
    %get3A_12 = vector.load %arg4[%get3A_10, %get3A_11] : memref<1x10240xi32, #tpu.memory_space<vmem>>, vector<1x10240xi32>
    %mul3A = arith.constant 256 : i32
    %mul3A_13 = arith.muli %arg0, %mul3A : i32
    %iota3A = tpu.iota {dimensions = array<i32: 0>} : vector<256x1xi32>
    %add3A = vector.broadcast %mul3A_13 : i32 to vector<256x1xi32>
    %add3A_14 = arith.addi %add3A, %iota3A : vector<256x1xi32>
    %iota3A_15 = tpu.iota {dimensions = array<i32: 1>} : vector<256x10240xi32>
    %gt3A = vector.broadcast %get3A_3 : vector<256x1xf32> to vector<256x10240xf32>
    %gt3A_16 = vector.broadcast %get3A_9 : vector<1x10240xf32> to vector<256x10240xf32>
    %gt3A_17 = arith.cmpf ogt, %gt3A, %gt3A_16 : vector<256x10240xf32>
    %eq3A_18 = vector.broadcast %get3A_3 : vector<256x1xf32> to vector<256x10240xf32>
    %eq3A_19 = vector.broadcast %get3A_9 : vector<1x10240xf32> to vector<256x10240xf32>
    %eq3A_20 = arith.cmpf oeq, %eq3A_18, %eq3A_19 : vector<256x10240xf32>
    %lt3A = vector.broadcast %add3A_14 : vector<256x1xi32> to vector<256x10240xi32>
    %lt3A_21 = arith.cmpi slt, %lt3A, %iota3A_15 : vector<256x10240xi32>
    %and3A = arith.andi %eq3A_20, %lt3A_21 : vector<256x10240xi1>
    %or3A = arith.ori %gt3A_17, %and3A : vector<256x10240xi1>
    %eq3A_22 = vector.broadcast %get3A_6 : vector<256x1xi32> to vector<256x10240xi32>
    %eq3A_23 = vector.broadcast %get3A_12 : vector<1x10240xi32> to vector<256x10240xi32>
    %eq3A_24 = arith.cmpi eq, %eq3A_22, %eq3A_23 : vector<256x10240xi32>
    %and3A_25 = arith.andi %eq3A_24, %or3A : vector<256x10240xi1>
    %get3A_26 = arith.constant 0 : index
    %get3A_27 = arith.constant 0 : index
    %get3A_28 = vector.load %arg6[%get3A_26, %get3A_27] : memref<1x10240xf32, #tpu.memory_space<vmem>>, vector<1x10240xf32>
    %convert_element_type3A_29 = arith.extui %and3A_25 : vector<256x10240xi1> to vector<256x10240xi32>
    %convert_element_type3A_30 = arith.sitofp %convert_element_type3A_29 : vector<256x10240xi32> to vector<256x10240xf32>
    %reduce_sum3A = arith.constant dense<0.000000e+00> : vector<10240xf32>
    %reduce_sum3A_31 = vector.multi_reduction <add>, %convert_element_type3A_30, %reduce_sum3A [0] : vector<256x10240xf32> to vector<10240xf32>
    %broadcast_in_dim3A = vector.shape_cast %reduce_sum3A_31 : vector<10240xf32> to vector<1x10240xf32>
    %add3A_32 = arith.addf %get3A_28, %broadcast_in_dim3A : vector<1x10240xf32>
    %swap3A = arith.constant 0 : index
    %swap3A_33 = arith.constant 0 : index
    %swap3A_34 = vector.load %arg6[%swap3A, %swap3A_33] : memref<1x10240xf32, #tpu.memory_space<vmem>>, vector<1x10240xf32>
    tpu.vector_store %arg6[%swap3A, %swap3A_33], %add3A_32 {strides = array<i32>} : memref<1x10240xf32, #tpu.memory_space<vmem>>, vector<1x10240xf32>,
    %eq3A_35 = arith.constant 39 : i32
    %eq3A_36 = arith.cmpi eq, %arg0, %eq3A_35 : i32
    %convert_element_type3A_37 = arith.extui %eq3A_36 : i1 to i32
    %cond3A_38 = arith.constant 0 : i32
    %cond3A_39 = arith.cmpi ne, %convert_element_type3A_37, %cond3A_38 : i32
    scf.if %cond3A_39 {
      %get3A_40 = arith.constant 0 : index
      %get3A_41 = arith.constant 0 : index
      %get3A_42 = vector.load %arg6[%get3A_40, %get3A_41] : memref<1x10240xf32, #tpu.memory_space<vmem>>, vector<1x10240xf32>
      %swap3A_43 = arith.constant 0 : index
      %swap3A_44 = arith.constant 0 : index
      %swap3A_45 = vector.load %arg5[%swap3A_43, %swap3A_44] : memref<1x10240xf32, #tpu.memory_space<vmem>>, vector<1x10240xf32>
      tpu.vector_store %arg5[%swap3A_43, %swap3A_44], %get3A_42 {strides = array<i32>} : memref<1x10240xf32, #tpu.memory_space<vmem>>, vector<1x10240xf32>,
    } else {
    }
    return
  }
  func.func @transform_0(%arg0: i32) -> (i32, i32) {
    %c0_i32 = arith.constant 0 : i32
    %c0_i32_0 = arith.constant 0 : i32
    return %arg0, %c0_i32 : i32, i32
  }
  func.func @transform_1(%arg0: i32) -> (i32, i32) {
    %c0_i32 = arith.constant 0 : i32
    %c0_i32_0 = arith.constant 0 : i32
    return %arg0, %c0_i32 : i32, i32
  }
  func.func @transform_2(%arg0: i32) -> (i32, i32) {
    %c0_i32 = arith.constant 0 : i32
    %c0_i32_0 = arith.constant 0 : i32
    %c0_i32_1 = arith.constant 0 : i32
    return %c0_i32, %c0_i32_0 : i32, i32
  }
  func.func @transform_3(%arg0: i32) -> (i32, i32) {
    %c0_i32 = arith.constant 0 : i32
    %c0_i32_0 = arith.constant 0 : i32
    %c0_i32_1 = arith.constant 0 : i32
    return %c0_i32, %c0_i32_0 : i32, i32
  }
  func.func @transform_4(%arg0: i32) -> (i32, i32) {
    %c0_i32 = arith.constant 0 : i32
    %c0_i32_0 = arith.constant 0 : i32
    %c0_i32_1 = arith.constant 0 : i32
    return %c0_i32, %c0_i32_0 : i32, i32
  }
}

module attributes {stable_mosaic.version = 14 : i64} {
  func.func @_select_kernel(%arg0: i32, %arg1: memref<1x10240xf32, #tpu.memory_space<vmem>>, %arg2: memref<1x10240xi32, #tpu.memory_space<vmem>>, %arg3: memref<10240x128xf32, #tpu.memory_space<vmem>>, %arg4: memref<10240x128xf32, #tpu.memory_space<vmem>>, %arg5: memref<10240x128xf32, #tpu.memory_space<vmem>>, %arg6: memref<10240x128xf32, #tpu.memory_space<vmem>>, %arg7: memref<256x512xf32, #tpu.memory_space<vmem>>) attributes {dimension_semantics = [#tpu.dimension_semantics<arbitrary>], iteration_bounds = array<i64: 16>, scalar_prefetch = 0 : i64, scratch_operands = 0 : i64, tpu.core_type = #tpu.core_type<tc>, window_params = [{pipeline_mode = #tpu.pipeline_mode<synchronous>, transform_indices = @transform_0, window_bounds = array<i64: 1, 10240>}, {pipeline_mode = #tpu.pipeline_mode<synchronous>, transform_indices = @transform_1, window_bounds = array<i64: 1, 10240>}, {pipeline_mode = #tpu.pipeline_mode<synchronous>, transform_indices = @transform_2, window_bounds = array<i64: 10240, 128>}, {pipeline_mode = #tpu.pipeline_mode<synchronous>, transform_indices = @transform_3, window_bounds = array<i64: 10240, 128>}, {pipeline_mode = #tpu.pipeline_mode<synchronous>, transform_indices = @transform_4, window_bounds = array<i64: 10240, 128>}, {pipeline_mode = #tpu.pipeline_mode<synchronous>, transform_indices = @transform_5, window_bounds = array<i64: 10240, 128>}, {transform_indices = @transform_6, window_bounds = array<i64: 256, 512>}]} {
    %mul3A = arith.constant 256 : i32
    %mul3A_0 = arith.muli %arg0, %mul3A : i32
    %iota3A = tpu.iota {dimensions = array<i32: 0>} : vector<256x1xi32>
    %add3A = vector.broadcast %mul3A_0 : i32 to vector<256x1xi32>
    %add3A_1 = arith.addi %add3A, %iota3A : vector<256x1xi32>
    %shift_right_logical3A = arith.constant 11 : i32
    %shift_right_logical3A_2 = vector.broadcast %shift_right_logical3A : i32 to vector<256x1xi32>
    %shift_right_logical3A_3 = arith.shrui %add3A_1, %shift_right_logical3A_2 : vector<256x1xi32>
    %and3A = arith.constant 2047 : i32
    %and3A_4 = vector.broadcast %and3A : i32 to vector<256x1xi32>
    %and3A_5 = arith.andi %add3A_1, %and3A_4 : vector<256x1xi32>
    %shift_right_logical3A_6 = arith.constant 5 : i32
    %shift_right_logical3A_7 = vector.broadcast %shift_right_logical3A_6 : i32 to vector<256x1xi32>
    %shift_right_logical3A_8 = arith.shrui %and3A_5, %shift_right_logical3A_7 : vector<256x1xi32>
    %and3A_9 = arith.constant 31 : i32
    %and3A_10 = vector.broadcast %and3A_9 : i32 to vector<256x1xi32>
    %and3A_11 = arith.andi %and3A_5, %and3A_10 : vector<256x1xi32>
    %mul3A_12 = arith.constant 2 : i32
    %mul3A_13 = vector.broadcast %mul3A_12 : i32 to vector<256x1xi32>
    %mul3A_14 = arith.muli %mul3A_13, %and3A_11 : vector<256x1xi32>
    %add3A_15 = arith.addi %mul3A_14, %shift_right_logical3A_3 : vector<256x1xi32>
    %get3A = arith.constant 0 : index
    %get3A_16 = arith.constant 0 : index
    %get3A_17 = vector.load %arg2[%get3A, %get3A_16] : memref<1x10240xi32, #tpu.memory_space<vmem>>, vector<1x10240xi32>
    %eq3A = vector.broadcast %get3A_17 : vector<1x10240xi32> to vector<256x10240xi32>
    %eq3A_18 = vector.broadcast %shift_right_logical3A_8 : vector<256x1xi32> to vector<256x10240xi32>
    %eq3A_19 = arith.cmpi eq, %eq3A, %eq3A_18 : vector<256x10240xi32>
    %get3A_20 = arith.constant 0 : index
    %get3A_21 = arith.constant 0 : index
    %get3A_22 = vector.load %arg1[%get3A_20, %get3A_21] : memref<1x10240xf32, #tpu.memory_space<vmem>>, vector<1x10240xf32>
    %convert_element_type3A = arith.sitofp %add3A_15 : vector<256x1xi32> to vector<256x1xf32>
    %eq3A_23 = vector.broadcast %get3A_22 : vector<1x10240xf32> to vector<256x10240xf32>
    %eq3A_24 = vector.broadcast %convert_element_type3A : vector<256x1xf32> to vector<256x10240xf32>
    %eq3A_25 = arith.cmpf oeq, %eq3A_23, %eq3A_24 : vector<256x10240xf32>
    %and3A_26 = arith.andi %eq3A_19, %eq3A_25 : vector<256x10240xi1>
    %convert_element_type3A_27 = arith.extui %and3A_26 : vector<256x10240xi1> to vector<256x10240xi32>
    %convert_element_type3A_28 = arith.sitofp %convert_element_type3A_27 : vector<256x10240xi32> to vector<256x10240xf32>
    %get3A_29 = arith.constant 0 : index
    %get3A_30 = arith.constant 0 : index
    %get3A_31 = vector.load %arg3[%get3A_29, %get3A_30] : memref<10240x128xf32, #tpu.memory_space<vmem>>, vector<10240x128xf32>
    %dot_general3A = arith.constant dense<0.000000e+00> : vector<256x128xf32>
    %dot_general3A_32 = tpu.matmul %convert_element_type3A_28, %get3A_31, %dot_general3A {dimension_numbers = #tpu.dot_dimension_numbers<[1], [0], [0], [1], [0, 0, 1, 1], [], []>, transpose_lhs_hint = false} : vector<256x10240xf32>, vector<10240x128xf32>, vector<256x128xf32> -> vector<256x128xf32>
    %swap3A = arith.constant 0 : index
    %swap3A_33 = arith.constant 0 : index
    %swap3A_34 = vector.load %arg7[%swap3A, %swap3A_33] : memref<256x512xf32, #tpu.memory_space<vmem>>, vector<256x128xf32>
    tpu.vector_store %arg7[%swap3A, %swap3A_33], %dot_general3A_32 {strides = array<i32>} : memref<256x512xf32, #tpu.memory_space<vmem>>, vector<256x128xf32>,
    %get3A_35 = arith.constant 0 : index
    %get3A_36 = arith.constant 0 : index
    %get3A_37 = vector.load %arg4[%get3A_35, %get3A_36] : memref<10240x128xf32, #tpu.memory_space<vmem>>, vector<10240x128xf32>
    %dot_general3A_38 = arith.constant dense<0.000000e+00> : vector<256x128xf32>
    %dot_general3A_39 = tpu.matmul %convert_element_type3A_28, %get3A_37, %dot_general3A_38 {dimension_numbers = #tpu.dot_dimension_numbers<[1], [0], [0], [1], [0, 0, 1, 1], [], []>, transpose_lhs_hint = false} : vector<256x10240xf32>, vector<10240x128xf32>, vector<256x128xf32> -> vector<256x128xf32>
    %swap3A_40 = arith.constant 0 : index
    %swap3A_41 = arith.constant 128 : index
    %swap3A_42 = vector.load %arg7[%swap3A_40, %swap3A_41] : memref<256x512xf32, #tpu.memory_space<vmem>>, vector<256x128xf32>
    tpu.vector_store %arg7[%swap3A_40, %swap3A_41], %dot_general3A_39 {strides = array<i32>} : memref<256x512xf32, #tpu.memory_space<vmem>>, vector<256x128xf32>,
    %get3A_43 = arith.constant 0 : index
    %get3A_44 = arith.constant 0 : index
    %get3A_45 = vector.load %arg5[%get3A_43, %get3A_44] : memref<10240x128xf32, #tpu.memory_space<vmem>>, vector<10240x128xf32>
    %dot_general3A_46 = arith.constant dense<0.000000e+00> : vector<256x128xf32>
    %dot_general3A_47 = tpu.matmul %convert_element_type3A_28, %get3A_45, %dot_general3A_46 {dimension_numbers = #tpu.dot_dimension_numbers<[1], [0], [0], [1], [0, 0, 1, 1], [], []>, transpose_lhs_hint = false} : vector<256x10240xf32>, vector<10240x128xf32>, vector<256x128xf32> -> vector<256x128xf32>
    %swap3A_48 = arith.constant 0 : index
    %swap3A_49 = arith.constant 256 : index
    %swap3A_50 = vector.load %arg7[%swap3A_48, %swap3A_49] : memref<256x512xf32, #tpu.memory_space<vmem>>, vector<256x128xf32>
    tpu.vector_store %arg7[%swap3A_48, %swap3A_49], %dot_general3A_47 {strides = array<i32>} : memref<256x512xf32, #tpu.memory_space<vmem>>, vector<256x128xf32>,
    %get3A_51 = arith.constant 0 : index
    %get3A_52 = arith.constant 0 : index
    %get3A_53 = vector.load %arg6[%get3A_51, %get3A_52] : memref<10240x128xf32, #tpu.memory_space<vmem>>, vector<10240x128xf32>
    %dot_general3A_54 = arith.constant dense<0.000000e+00> : vector<256x128xf32>
    %dot_general3A_55 = tpu.matmul %convert_element_type3A_28, %get3A_53, %dot_general3A_54 {dimension_numbers = #tpu.dot_dimension_numbers<[1], [0], [0], [1], [0, 0, 1, 1], [], []>, transpose_lhs_hint = false} : vector<256x10240xf32>, vector<10240x128xf32>, vector<256x128xf32> -> vector<256x128xf32>
    %swap3A_56 = arith.constant 0 : index
    %swap3A_57 = arith.constant 384 : index
    %swap3A_58 = vector.load %arg7[%swap3A_56, %swap3A_57] : memref<256x512xf32, #tpu.memory_space<vmem>>, vector<256x128xf32>
    tpu.vector_store %arg7[%swap3A_56, %swap3A_57], %dot_general3A_55 {strides = array<i32>} : memref<256x512xf32, #tpu.memory_space<vmem>>, vector<256x128xf32>,
    return
  }
  func.func @transform_0(%arg0: i32) -> (i32, i32) {
    %c0_i32 = arith.constant 0 : i32
    %c0_i32_0 = arith.constant 0 : i32
    %c0_i32_1 = arith.constant 0 : i32
    return %c0_i32, %c0_i32_0 : i32, i32
  }
  func.func @transform_1(%arg0: i32) -> (i32, i32) {
    %c0_i32 = arith.constant 0 : i32
    %c0_i32_0 = arith.constant 0 : i32
    %c0_i32_1 = arith.constant 0 : i32
    return %c0_i32, %c0_i32_0 : i32, i32
  }
  func.func @transform_2(%arg0: i32) -> (i32, i32) {
    %c0_i32 = arith.constant 0 : i32
    %c0_i32_0 = arith.constant 0 : i32
    %c0_i32_1 = arith.constant 0 : i32
    return %c0_i32, %c0_i32_0 : i32, i32
  }
  func.func @transform_3(%arg0: i32) -> (i32, i32) {
    %c0_i32 = arith.constant 0 : i32
    %c0_i32_0 = arith.constant 0 : i32
    %c0_i32_1 = arith.constant 0 : i32
    return %c0_i32, %c0_i32_0 : i32, i32
  }
  func.func @transform_4(%arg0: i32) -> (i32, i32) {
    %c0_i32 = arith.constant 0 : i32
    %c0_i32_0 = arith.constant 0 : i32
    %c0_i32_1 = arith.constant 0 : i32
    return %c0_i32, %c0_i32_0 : i32, i32
  }
  func.func @transform_5(%arg0: i32) -> (i32, i32) {
    %c0_i32 = arith.constant 0 : i32
    %c0_i32_0 = arith.constant 0 : i32
    %c0_i32_1 = arith.constant 0 : i32
    return %c0_i32, %c0_i32_0 : i32, i32
  }
  func.func @transform_6(%arg0: i32) -> (i32, i32) {
    %c0_i32 = arith.constant 0 : i32
    %c0_i32_0 = arith.constant 0 : i32
    return %arg0, %c0_i32 : i32, i32
  }
}

module attributes {stable_mosaic.version = 14 : i64} {
  func.func @_tail_kernel(%arg0: memref<4096x512xf32, #tpu.memory_space<vmem>>, %arg1: memref<512x16xf32, #tpu.memory_space<vmem>>, %arg2: memref<1x16xf32, #tpu.memory_space<vmem>>, %arg3: memref<5x16x32xf32, #tpu.memory_space<vmem>>, %arg4: memref<1x32xf32, #tpu.memory_space<vmem>>, %arg5: memref<28x32x32xf32, #tpu.memory_space<vmem>>, %arg6: memref<1x32xf32, #tpu.memory_space<vmem>>, %arg7: memref<32x10xf32, #tpu.memory_space<vmem>>, %arg8: memref<1x10xf32, #tpu.memory_space<vmem>>, %arg9: memref<64x10xf32, #tpu.memory_space<vmem>>) attributes {dimension_semantics = [], scalar_prefetch = 0 : i64, scratch_operands = 0 : i64, tpu.core_type = #tpu.core_type<tc>} {
    %get3A = arith.constant 0 : index
    %get3A_0 = arith.constant 0 : index
    %get3A_1 = vector.load %arg0[%get3A, %get3A_0] : memref<4096x512xf32, #tpu.memory_space<vmem>>, vector<2048x512xf32>
    %get3A_2 = arith.constant 2048 : index
    %get3A_3 = arith.constant 0 : index
    %get3A_4 = vector.load %arg0[%get3A_2, %get3A_3] : memref<4096x512xf32, #tpu.memory_space<vmem>>, vector<2048x512xf32>
    %get3A_5 = arith.constant 0 : index
    %get3A_6 = arith.constant 0 : index
    %get3A_7 = vector.load %arg1[%get3A_5, %get3A_6] : memref<512x16xf32, #tpu.memory_space<vmem>>, vector<512x16xf32>
    %dot_general3A = arith.constant dense<0.000000e+00> : vector<2048x16xf32>
    %dot_general3A_8 = tpu.matmul %get3A_1, %get3A_7, %dot_general3A {dimension_numbers = #tpu.dot_dimension_numbers<[1], [0], [0], [1], [0, 0, 1, 1], [], []>, transpose_lhs_hint = false} : vector<2048x512xf32>, vector<512x16xf32>, vector<2048x16xf32> -> vector<2048x16xf32>
    %get3A_9 = arith.constant 0 : index
    %get3A_10 = arith.constant 0 : index
    %get3A_11 = vector.load %arg2[%get3A_9, %get3A_10] : memref<1x16xf32, #tpu.memory_space<vmem>>, vector<1x16xf32>
    %add3A = vector.broadcast %get3A_11 : vector<1x16xf32> to vector<2048x16xf32>
    %add3A_12 = arith.addf %dot_general3A_8, %add3A : vector<2048x16xf32>
    %max3A = arith.constant 0.000000e+00 : f32
    %max3A_13 = vector.broadcast %max3A : f32 to vector<2048x16xf32>
    %max3A_14 = arith.maximumf %add3A_12, %max3A_13 : vector<2048x16xf32>
    %dot_general3A_15 = arith.constant dense<0.000000e+00> : vector<2048x16xf32>
    %dot_general3A_16 = tpu.matmul %get3A_4, %get3A_7, %dot_general3A_15 {dimension_numbers = #tpu.dot_dimension_numbers<[1], [0], [0], [1], [0, 0, 1, 1], [], []>, transpose_lhs_hint = false} : vector<2048x512xf32>, vector<512x16xf32>, vector<2048x16xf32> -> vector<2048x16xf32>
    %get3A_17 = arith.constant 0 : index
    %get3A_18 = arith.constant 0 : index
    %get3A_19 = vector.load %arg2[%get3A_17, %get3A_18] : memref<1x16xf32, #tpu.memory_space<vmem>>, vector<1x16xf32>
    %add3A_20 = vector.broadcast %get3A_19 : vector<1x16xf32> to vector<2048x16xf32>
    %add3A_21 = arith.addf %dot_general3A_16, %add3A_20 : vector<2048x16xf32>
    %max3A_22 = arith.constant 0.000000e+00 : f32
    %max3A_23 = vector.broadcast %max3A_22 : f32 to vector<2048x16xf32>
    %max3A_24 = arith.maximumf %add3A_21, %max3A_23 : vector<2048x16xf32>
    %max3A_25 = arith.maximumf %max3A_14, %max3A_24 : vector<2048x16xf32>
    %broadcast_in_dim3A = arith.constant 0.000000e+00 : f32
    %broadcast_in_dim3A_26 = vector.broadcast %broadcast_in_dim3A : f32 to vector<2048x32xf32>
    %get3A_27 = arith.constant 0 : index
    %get3A_28 = arith.constant 0 : index
    %get3A_29 = arith.constant 0 : index
    %get3A_30 = vector.load %arg3[%get3A_27, %get3A_28, %get3A_29] : memref<5x16x32xf32, #tpu.memory_space<vmem>>, vector<1x16x32xf32>
    %get3A_31 = vector.shape_cast %get3A_30 : vector<1x16x32xf32> to vector<16x32xf32>
    %dot_general3A_32 = arith.constant dense<0.000000e+00> : vector<2048x32xf32>
    %dot_general3A_33 = tpu.matmul %max3A_25, %get3A_31, %dot_general3A_32 {dimension_numbers = #tpu.dot_dimension_numbers<[1], [0], [0], [1], [0, 0, 1, 1], [], []>, transpose_lhs_hint = false} : vector<2048x16xf32>, vector<16x32xf32>, vector<2048x32xf32> -> vector<2048x32xf32>
    %add3A_34 = arith.addf %broadcast_in_dim3A_26, %dot_general3A_33 : vector<2048x32xf32>
    %slice3A = vector.extract_strided_slice %max3A_25 {offsets = [1, 0], sizes = [2047, 16], strides = [1, 1]} : vector<2048x16xf32> to vector<2047x16xf32>
    %broadcast_in_dim3A_35 = arith.constant 0.000000e+00 : f32
    %broadcast_in_dim3A_36 = vector.broadcast %broadcast_in_dim3A_35 : f32 to vector<1x16xf32>
    %concatenate3A = tpu.concatenate %slice3A, %broadcast_in_dim3A_36 in 0 : vector<2047x16xf32>, vector<1x16xf32> -> vector<2048x16xf32>
    %get3A_37 = arith.constant 1 : index
    %get3A_38 = arith.constant 0 : index
    %get3A_39 = arith.constant 0 : index
    %get3A_40 = vector.load %arg3[%get3A_37, %get3A_38, %get3A_39] : memref<5x16x32xf32, #tpu.memory_space<vmem>>, vector<1x16x32xf32>
    %get3A_41 = vector.shape_cast %get3A_40 : vector<1x16x32xf32> to vector<16x32xf32>
    %dot_general3A_42 = arith.constant dense<0.000000e+00> : vector<2048x32xf32>
    %dot_general3A_43 = tpu.matmul %concatenate3A, %get3A_41, %dot_general3A_42 {dimension_numbers = #tpu.dot_dimension_numbers<[1], [0], [0], [1], [0, 0, 1, 1], [], []>, transpose_lhs_hint = false} : vector<2048x16xf32>, vector<16x32xf32>, vector<2048x32xf32> -> vector<2048x32xf32>
    %add3A_44 = arith.addf %add3A_34, %dot_general3A_43 : vector<2048x32xf32>
    %slice3A_45 = vector.extract_strided_slice %max3A_25 {offsets = [2, 0], sizes = [2046, 16], strides = [1, 1]} : vector<2048x16xf32> to vector<2046x16xf32>
    %broadcast_in_dim3A_46 = arith.constant 0.000000e+00 : f32
    %broadcast_in_dim3A_47 = vector.broadcast %broadcast_in_dim3A_46 : f32 to vector<2x16xf32>
    %concatenate3A_48 = tpu.concatenate %slice3A_45, %broadcast_in_dim3A_47 in 0 : vector<2046x16xf32>, vector<2x16xf32> -> vector<2048x16xf32>
    %get3A_49 = arith.constant 2 : index
    %get3A_50 = arith.constant 0 : index
    %get3A_51 = arith.constant 0 : index
    %get3A_52 = vector.load %arg3[%get3A_49, %get3A_50, %get3A_51] : memref<5x16x32xf32, #tpu.memory_space<vmem>>, vector<1x16x32xf32>
    %get3A_53 = vector.shape_cast %get3A_52 : vector<1x16x32xf32> to vector<16x32xf32>
    %dot_general3A_54 = arith.constant dense<0.000000e+00> : vector<2048x32xf32>
    %dot_general3A_55 = tpu.matmul %concatenate3A_48, %get3A_53, %dot_general3A_54 {dimension_numbers = #tpu.dot_dimension_numbers<[1], [0], [0], [1], [0, 0, 1, 1], [], []>, transpose_lhs_hint = false} : vector<2048x16xf32>, vector<16x32xf32>, vector<2048x32xf32> -> vector<2048x32xf32>
    %add3A_56 = arith.addf %add3A_44, %dot_general3A_55 : vector<2048x32xf32>
    %slice3A_57 = vector.extract_strided_slice %max3A_25 {offsets = [3, 0], sizes = [2045, 16], strides = [1, 1]} : vector<2048x16xf32> to vector<2045x16xf32>
    %broadcast_in_dim3A_58 = arith.constant 0.000000e+00 : f32
    %broadcast_in_dim3A_59 = vector.broadcast %broadcast_in_dim3A_58 : f32 to vector<3x16xf32>
    %concatenate3A_60 = tpu.concatenate %slice3A_57, %broadcast_in_dim3A_59 in 0 : vector<2045x16xf32>, vector<3x16xf32> -> vector<2048x16xf32>
    %get3A_61 = arith.constant 3 : index
    %get3A_62 = arith.constant 0 : index
    %get3A_63 = arith.constant 0 : index
    %get3A_64 = vector.load %arg3[%get3A_61, %get3A_62, %get3A_63] : memref<5x16x32xf32, #tpu.memory_space<vmem>>, vector<1x16x32xf32>
    %get3A_65 = vector.shape_cast %get3A_64 : vector<1x16x32xf32> to vector<16x32xf32>
    %dot_general3A_66 = arith.constant dense<0.000000e+00> : vector<2048x32xf32>
    %dot_general3A_67 = tpu.matmul %concatenate3A_60, %get3A_65, %dot_general3A_66 {dimension_numbers = #tpu.dot_dimension_numbers<[1], [0], [0], [1], [0, 0, 1, 1], [], []>, transpose_lhs_hint = false} : vector<2048x16xf32>, vector<16x32xf32>, vector<2048x32xf32> -> vector<2048x32xf32>
    %add3A_68 = arith.addf %add3A_56, %dot_general3A_67 : vector<2048x32xf32>
    %slice3A_69 = vector.extract_strided_slice %max3A_25 {offsets = [4, 0], sizes = [2044, 16], strides = [1, 1]} : vector<2048x16xf32> to vector<2044x16xf32>
    %broadcast_in_dim3A_70 = arith.constant 0.000000e+00 : f32
    %broadcast_in_dim3A_71 = vector.broadcast %broadcast_in_dim3A_70 : f32 to vector<4x16xf32>
    %concatenate3A_72 = tpu.concatenate %slice3A_69, %broadcast_in_dim3A_71 in 0 : vector<2044x16xf32>, vector<4x16xf32> -> vector<2048x16xf32>
    %get3A_73 = arith.constant 4 : index
    %get3A_74 = arith.constant 0 : index
    %get3A_75 = arith.constant 0 : index
    %get3A_76 = vector.load %arg3[%get3A_73, %get3A_74, %get3A_75] : memref<5x16x32xf32, #tpu.memory_space<vmem>>, vector<1x16x32xf32>
    %get3A_77 = vector.shape_cast %get3A_76 : vector<1x16x32xf32> to vector<16x32xf32>
    %dot_general3A_78 = arith.constant dense<0.000000e+00> : vector<2048x32xf32>
    %dot_general3A_79 = tpu.matmul %concatenate3A_72, %get3A_77, %dot_general3A_78 {dimension_numbers = #tpu.dot_dimension_numbers<[1], [0], [0], [1], [0, 0, 1, 1], [], []>, transpose_lhs_hint = false} : vector<2048x16xf32>, vector<16x32xf32>, vector<2048x32xf32> -> vector<2048x32xf32>
    %add3A_80 = arith.addf %add3A_68, %dot_general3A_79 : vector<2048x32xf32>
    %get3A_81 = arith.constant 0 : index
    %get3A_82 = arith.constant 0 : index
    %get3A_83 = vector.load %arg4[%get3A_81, %get3A_82] : memref<1x32xf32, #tpu.memory_space<vmem>>, vector<1x32xf32>
    %add3A_84 = vector.broadcast %get3A_83 : vector<1x32xf32> to vector<2048x32xf32>
    %add3A_85 = arith.addf %add3A_80, %add3A_84 : vector<2048x32xf32>
    %max3A_86 = arith.constant 0.000000e+00 : f32
    %max3A_87 = vector.broadcast %max3A_86 : f32 to vector<2048x32xf32>
    %max3A_88 = arith.maximumf %add3A_85, %max3A_87 : vector<2048x32xf32>
    %iota3A = tpu.iota {dimensions = array<i32: 1>} : vector<64x2048xi32>
    %iota3A_89 = tpu.iota {dimensions = array<i32: 0>} : vector<64x2048xi32>
    %broadcast_in_dim3A_90 = arith.constant 0.000000e+00 : f32
    %broadcast_in_dim3A_91 = vector.broadcast %broadcast_in_dim3A_90 : f32 to vector<64x32xf32>
    %mul3A = arith.constant 32 : i32
    %mul3A_92 = vector.broadcast %mul3A : i32 to vector<64x2048xi32>
    %mul3A_93 = arith.muli %iota3A_89, %mul3A_92 : vector<64x2048xi32>
    %add3A_94 = arith.constant 0 : i32
    %add3A_95 = vector.broadcast %add3A_94 : i32 to vector<64x2048xi32>
    %add3A_96 = arith.addi %mul3A_93, %add3A_95 : vector<64x2048xi32>
    %eq3A = arith.cmpi eq, %iota3A, %add3A_96 : vector<64x2048xi32>
    %convert_element_type3A = arith.extui %eq3A : vector<64x2048xi1> to vector<64x2048xi32>
    %convert_element_type3A_97 = arith.sitofp %convert_element_type3A : vector<64x2048xi32> to vector<64x2048xf32>
    %dot_general3A_98 = arith.constant dense<0.000000e+00> : vector<64x32xf32>
    %dot_general3A_99 = tpu.matmul %convert_element_type3A_97, %max3A_88, %dot_general3A_98 {dimension_numbers = #tpu.dot_dimension_numbers<[1], [0], [0], [1], [0, 0, 1, 1], [], []>, transpose_lhs_hint = false} : vector<64x2048xf32>, vector<2048x32xf32>, vector<64x32xf32> -> vector<64x32xf32>
    %get3A_100 = arith.constant 0 : index
    %get3A_101 = arith.constant 0 : index
    %get3A_102 = arith.constant 0 : index
    %get3A_103 = vector.load %arg5[%get3A_100, %get3A_101, %get3A_102] : memref<28x32x32xf32, #tpu.memory_space<vmem>>, vector<1x32x32xf32>
    %get3A_104 = vector.shape_cast %get3A_103 : vector<1x32x32xf32> to vector<32x32xf32>
    %dot_general3A_105 = arith.constant dense<0.000000e+00> : vector<64x32xf32>
    %dot_general3A_106 = tpu.matmul %dot_general3A_99, %get3A_104, %dot_general3A_105 {dimension_numbers = #tpu.dot_dimension_numbers<[1], [0], [0], [1], [0, 0, 1, 1], [], []>, transpose_lhs_hint = false} : vector<64x32xf32>, vector<32x32xf32>, vector<64x32xf32> -> vector<64x32xf32>
    %add3A_107 = arith.addf %broadcast_in_dim3A_91, %dot_general3A_106 : vector<64x32xf32>
    %mul3A_108 = arith.constant 32 : i32
    %mul3A_109 = vector.broadcast %mul3A_108 : i32 to vector<64x2048xi32>
    %mul3A_110 = arith.muli %iota3A_89, %mul3A_109 : vector<64x2048xi32>
    %add3A_111 = arith.constant 1 : i32
    %add3A_112 = vector.broadcast %add3A_111 : i32 to vector<64x2048xi32>
    %add3A_113 = arith.addi %mul3A_110, %add3A_112 : vector<64x2048xi32>
    %eq3A_114 = arith.cmpi eq, %iota3A, %add3A_113 : vector<64x2048xi32>
    %convert_element_type3A_115 = arith.extui %eq3A_114 : vector<64x2048xi1> to vector<64x2048xi32>
    %convert_element_type3A_116 = arith.sitofp %convert_element_type3A_115 : vector<64x2048xi32> to vector<64x2048xf32>
    %dot_general3A_117 = arith.constant dense<0.000000e+00> : vector<64x32xf32>
    %dot_general3A_118 = tpu.matmul %convert_element_type3A_116, %max3A_88, %dot_general3A_117 {dimension_numbers = #tpu.dot_dimension_numbers<[1], [0], [0], [1], [0, 0, 1, 1], [], []>, transpose_lhs_hint = false} : vector<64x2048xf32>, vector<2048x32xf32>, vector<64x32xf32> -> vector<64x32xf32>
    %get3A_119 = arith.constant 1 : index
    %get3A_120 = arith.constant 0 : index
    %get3A_121 = arith.constant 0 : index
    %get3A_122 = vector.load %arg5[%get3A_119, %get3A_120, %get3A_121] : memref<28x32x32xf32, #tpu.memory_space<vmem>>, vector<1x32x32xf32>
    %get3A_123 = vector.shape_cast %get3A_122 : vector<1x32x32xf32> to vector<32x32xf32>
    %dot_general3A_124 = arith.constant dense<0.000000e+00> : vector<64x32xf32>
    %dot_general3A_125 = tpu.matmul %dot_general3A_118, %get3A_123, %dot_general3A_124 {dimension_numbers = #tpu.dot_dimension_numbers<[1], [0], [0], [1], [0, 0, 1, 1], [], []>, transpose_lhs_hint = false} : vector<64x32xf32>, vector<32x32xf32>, vector<64x32xf32> -> vector<64x32xf32>
    %add3A_126 = arith.addf %add3A_107, %dot_general3A_125 : vector<64x32xf32>
    %mul3A_127 = arith.constant 32 : i32
    %mul3A_128 = vector.broadcast %mul3A_127 : i32 to vector<64x2048xi32>
    %mul3A_129 = arith.muli %iota3A_89, %mul3A_128 : vector<64x2048xi32>
    %add3A_130 = arith.constant 2 : i32
    %add3A_131 = vector.broadcast %add3A_130 : i32 to vector<64x2048xi32>
    %add3A_132 = arith.addi %mul3A_129, %add3A_131 : vector<64x2048xi32>
    %eq3A_133 = arith.cmpi eq, %iota3A, %add3A_132 : vector<64x2048xi32>
    %convert_element_type3A_134 = arith.extui %eq3A_133 : vector<64x2048xi1> to vector<64x2048xi32>
    %convert_element_type3A_135 = arith.sitofp %convert_element_type3A_134 : vector<64x2048xi32> to vector<64x2048xf32>
    %dot_general3A_136 = arith.constant dense<0.000000e+00> : vector<64x32xf32>
    %dot_general3A_137 = tpu.matmul %convert_element_type3A_135, %max3A_88, %dot_general3A_136 {dimension_numbers = #tpu.dot_dimension_numbers<[1], [0], [0], [1], [0, 0, 1, 1], [], []>, transpose_lhs_hint = false} : vector<64x2048xf32>, vector<2048x32xf32>, vector<64x32xf32> -> vector<64x32xf32>
    %get3A_138 = arith.constant 2 : index
    %get3A_139 = arith.constant 0 : index
    %get3A_140 = arith.constant 0 : index
    %get3A_141 = vector.load %arg5[%get3A_138, %get3A_139, %get3A_140] : memref<28x32x32xf32, #tpu.memory_space<vmem>>, vector<1x32x32xf32>
    %get3A_142 = vector.shape_cast %get3A_141 : vector<1x32x32xf32> to vector<32x32xf32>
    %dot_general3A_143 = arith.constant dense<0.000000e+00> : vector<64x32xf32>
    %dot_general3A_144 = tpu.matmul %dot_general3A_137, %get3A_142, %dot_general3A_143 {dimension_numbers = #tpu.dot_dimension_numbers<[1], [0], [0], [1], [0, 0, 1, 1], [], []>, transpose_lhs_hint = false} : vector<64x32xf32>, vector<32x32xf32>, vector<64x32xf32> -> vector<64x32xf32>
    %add3A_145 = arith.addf %add3A_126, %dot_general3A_144 : vector<64x32xf32>
    %mul3A_146 = arith.constant 32 : i32
    %mul3A_147 = vector.broadcast %mul3A_146 : i32 to vector<64x2048xi32>
    %mul3A_148 = arith.muli %iota3A_89, %mul3A_147 : vector<64x2048xi32>
    %add3A_149 = arith.constant 3 : i32
    %add3A_150 = vector.broadcast %add3A_149 : i32 to vector<64x2048xi32>
    %add3A_151 = arith.addi %mul3A_148, %add3A_150 : vector<64x2048xi32>
    %eq3A_152 = arith.cmpi eq, %iota3A, %add3A_151 : vector<64x2048xi32>
    %convert_element_type3A_153 = arith.extui %eq3A_152 : vector<64x2048xi1> to vector<64x2048xi32>
    %convert_element_type3A_154 = arith.sitofp %convert_element_type3A_153 : vector<64x2048xi32> to vector<64x2048xf32>
    %dot_general3A_155 = arith.constant dense<0.000000e+00> : vector<64x32xf32>
    %dot_general3A_156 = tpu.matmul %convert_element_type3A_154, %max3A_88, %dot_general3A_155 {dimension_numbers = #tpu.dot_dimension_numbers<[1], [0], [0], [1], [0, 0, 1, 1], [], []>, transpose_lhs_hint = false} : vector<64x2048xf32>, vector<2048x32xf32>, vector<64x32xf32> -> vector<64x32xf32>
    %get3A_157 = arith.constant 3 : index
    %get3A_158 = arith.constant 0 : index
    %get3A_159 = arith.constant 0 : index
    %get3A_160 = vector.load %arg5[%get3A_157, %get3A_158, %get3A_159] : memref<28x32x32xf32, #tpu.memory_space<vmem>>, vector<1x32x32xf32>
    %get3A_161 = vector.shape_cast %get3A_160 : vector<1x32x32xf32> to vector<32x32xf32>
    %dot_general3A_162 = arith.constant dense<0.000000e+00> : vector<64x32xf32>
    %dot_general3A_163 = tpu.matmul %dot_general3A_156, %get3A_161, %dot_general3A_162 {dimension_numbers = #tpu.dot_dimension_numbers<[1], [0], [0], [1], [0, 0, 1, 1], [], []>, transpose_lhs_hint = false} : vector<64x32xf32>, vector<32x32xf32>, vector<64x32xf32> -> vector<64x32xf32>
    %add3A_164 = arith.addf %add3A_145, %dot_general3A_163 : vector<64x32xf32>
    %mul3A_165 = arith.constant 32 : i32
    %mul3A_166 = vector.broadcast %mul3A_165 : i32 to vector<64x2048xi32>
    %mul3A_167 = arith.muli %iota3A_89, %mul3A_166 : vector<64x2048xi32>
    %add3A_168 = arith.constant 4 : i32
    %add3A_169 = vector.broadcast %add3A_168 : i32 to vector<64x2048xi32>
    %add3A_170 = arith.addi %mul3A_167, %add3A_169 : vector<64x2048xi32>
    %eq3A_171 = arith.cmpi eq, %iota3A, %add3A_170 : vector<64x2048xi32>
    %convert_element_type3A_172 = arith.extui %eq3A_171 : vector<64x2048xi1> to vector<64x2048xi32>
    %convert_element_type3A_173 = arith.sitofp %convert_element_type3A_172 : vector<64x2048xi32> to vector<64x2048xf32>
    %dot_general3A_174 = arith.constant dense<0.000000e+00> : vector<64x32xf32>
    %dot_general3A_175 = tpu.matmul %convert_element_type3A_173, %max3A_88, %dot_general3A_174 {dimension_numbers = #tpu.dot_dimension_numbers<[1], [0], [0], [1], [0, 0, 1, 1], [], []>, transpose_lhs_hint = false} : vector<64x2048xf32>, vector<2048x32xf32>, vector<64x32xf32> -> vector<64x32xf32>
    %get3A_176 = arith.constant 4 : index
    %get3A_177 = arith.constant 0 : index
    %get3A_178 = arith.constant 0 : index
    %get3A_179 = vector.load %arg5[%get3A_176, %get3A_177, %get3A_178] : memref<28x32x32xf32, #tpu.memory_space<vmem>>, vector<1x32x32xf32>
    %get3A_180 = vector.shape_cast %get3A_179 : vector<1x32x32xf32> to vector<32x32xf32>
    %dot_general3A_181 = arith.constant dense<0.000000e+00> : vector<64x32xf32>
    %dot_general3A_182 = tpu.matmul %dot_general3A_175, %get3A_180, %dot_general3A_181 {dimension_numbers = #tpu.dot_dimension_numbers<[1], [0], [0], [1], [0, 0, 1, 1], [], []>, transpose_lhs_hint = false} : vector<64x32xf32>, vector<32x32xf32>, vector<64x32xf32> -> vector<64x32xf32>
    %add3A_183 = arith.addf %add3A_164, %dot_general3A_182 : vector<64x32xf32>
    %mul3A_184 = arith.constant 32 : i32
    %mul3A_185 = vector.broadcast %mul3A_184 : i32 to vector<64x2048xi32>
    %mul3A_186 = arith.muli %iota3A_89, %mul3A_185 : vector<64x2048xi32>
    %add3A_187 = arith.constant 5 : i32
    %add3A_188 = vector.broadcast %add3A_187 : i32 to vector<64x2048xi32>
    %add3A_189 = arith.addi %mul3A_186, %add3A_188 : vector<64x2048xi32>
    %eq3A_190 = arith.cmpi eq, %iota3A, %add3A_189 : vector<64x2048xi32>
    %convert_element_type3A_191 = arith.extui %eq3A_190 : vector<64x2048xi1> to vector<64x2048xi32>
    %convert_element_type3A_192 = arith.sitofp %convert_element_type3A_191 : vector<64x2048xi32> to vector<64x2048xf32>
    %dot_general3A_193 = arith.constant dense<0.000000e+00> : vector<64x32xf32>
    %dot_general3A_194 = tpu.matmul %convert_element_type3A_192, %max3A_88, %dot_general3A_193 {dimension_numbers = #tpu.dot_dimension_numbers<[1], [0], [0], [1], [0, 0, 1, 1], [], []>, transpose_lhs_hint = false} : vector<64x2048xf32>, vector<2048x32xf32>, vector<64x32xf32> -> vector<64x32xf32>
    %get3A_195 = arith.constant 5 : index
    %get3A_196 = arith.constant 0 : index
    %get3A_197 = arith.constant 0 : index
    %get3A_198 = vector.load %arg5[%get3A_195, %get3A_196, %get3A_197] : memref<28x32x32xf32, #tpu.memory_space<vmem>>, vector<1x32x32xf32>
    %get3A_199 = vector.shape_cast %get3A_198 : vector<1x32x32xf32> to vector<32x32xf32>
    %dot_general3A_200 = arith.constant dense<0.000000e+00> : vector<64x32xf32>
    %dot_general3A_201 = tpu.matmul %dot_general3A_194, %get3A_199, %dot_general3A_200 {dimension_numbers = #tpu.dot_dimension_numbers<[1], [0], [0], [1], [0, 0, 1, 1], [], []>, transpose_lhs_hint = false} : vector<64x32xf32>, vector<32x32xf32>, vector<64x32xf32> -> vector<64x32xf32>
    %add3A_202 = arith.addf %add3A_183, %dot_general3A_201 : vector<64x32xf32>
    %mul3A_203 = arith.constant 32 : i32
    %mul3A_204 = vector.broadcast %mul3A_203 : i32 to vector<64x2048xi32>
    %mul3A_205 = arith.muli %iota3A_89, %mul3A_204 : vector<64x2048xi32>
    %add3A_206 = arith.constant 6 : i32
    %add3A_207 = vector.broadcast %add3A_206 : i32 to vector<64x2048xi32>
    %add3A_208 = arith.addi %mul3A_205, %add3A_207 : vector<64x2048xi32>
    %eq3A_209 = arith.cmpi eq, %iota3A, %add3A_208 : vector<64x2048xi32>
    %convert_element_type3A_210 = arith.extui %eq3A_209 : vector<64x2048xi1> to vector<64x2048xi32>
    %convert_element_type3A_211 = arith.sitofp %convert_element_type3A_210 : vector<64x2048xi32> to vector<64x2048xf32>
    %dot_general3A_212 = arith.constant dense<0.000000e+00> : vector<64x32xf32>
    %dot_general3A_213 = tpu.matmul %convert_element_type3A_211, %max3A_88, %dot_general3A_212 {dimension_numbers = #tpu.dot_dimension_numbers<[1], [0], [0], [1], [0, 0, 1, 1], [], []>, transpose_lhs_hint = false} : vector<64x2048xf32>, vector<2048x32xf32>, vector<64x32xf32> -> vector<64x32xf32>
    %get3A_214 = arith.constant 6 : index
    %get3A_215 = arith.constant 0 : index
    %get3A_216 = arith.constant 0 : index
    %get3A_217 = vector.load %arg5[%get3A_214, %get3A_215, %get3A_216] : memref<28x32x32xf32, #tpu.memory_space<vmem>>, vector<1x32x32xf32>
    %get3A_218 = vector.shape_cast %get3A_217 : vector<1x32x32xf32> to vector<32x32xf32>
    %dot_general3A_219 = arith.constant dense<0.000000e+00> : vector<64x32xf32>
    %dot_general3A_220 = tpu.matmul %dot_general3A_213, %get3A_218, %dot_general3A_219 {dimension_numbers = #tpu.dot_dimension_numbers<[1], [0], [0], [1], [0, 0, 1, 1], [], []>, transpose_lhs_hint = false} : vector<64x32xf32>, vector<32x32xf32>, vector<64x32xf32> -> vector<64x32xf32>
    %add3A_221 = arith.addf %add3A_202, %dot_general3A_220 : vector<64x32xf32>
    %mul3A_222 = arith.constant 32 : i32
    %mul3A_223 = vector.broadcast %mul3A_222 : i32 to vector<64x2048xi32>
    %mul3A_224 = arith.muli %iota3A_89, %mul3A_223 : vector<64x2048xi32>
    %add3A_225 = arith.constant 7 : i32
    %add3A_226 = vector.broadcast %add3A_225 : i32 to vector<64x2048xi32>
    %add3A_227 = arith.addi %mul3A_224, %add3A_226 : vector<64x2048xi32>
    %eq3A_228 = arith.cmpi eq, %iota3A, %add3A_227 : vector<64x2048xi32>
    %convert_element_type3A_229 = arith.extui %eq3A_228 : vector<64x2048xi1> to vector<64x2048xi32>
    %convert_element_type3A_230 = arith.sitofp %convert_element_type3A_229 : vector<64x2048xi32> to vector<64x2048xf32>
    %dot_general3A_231 = arith.constant dense<0.000000e+00> : vector<64x32xf32>
    %dot_general3A_232 = tpu.matmul %convert_element_type3A_230, %max3A_88, %dot_general3A_231 {dimension_numbers = #tpu.dot_dimension_numbers<[1], [0], [0], [1], [0, 0, 1, 1], [], []>, transpose_lhs_hint = false} : vector<64x2048xf32>, vector<2048x32xf32>, vector<64x32xf32> -> vector<64x32xf32>
    %get3A_233 = arith.constant 7 : index
    %get3A_234 = arith.constant 0 : index
    %get3A_235 = arith.constant 0 : index
    %get3A_236 = vector.load %arg5[%get3A_233, %get3A_234, %get3A_235] : memref<28x32x32xf32, #tpu.memory_space<vmem>>, vector<1x32x32xf32>
    %get3A_237 = vector.shape_cast %get3A_236 : vector<1x32x32xf32> to vector<32x32xf32>
    %dot_general3A_238 = arith.constant dense<0.000000e+00> : vector<64x32xf32>
    %dot_general3A_239 = tpu.matmul %dot_general3A_232, %get3A_237, %dot_general3A_238 {dimension_numbers = #tpu.dot_dimension_numbers<[1], [0], [0], [1], [0, 0, 1, 1], [], []>, transpose_lhs_hint = false} : vector<64x32xf32>, vector<32x32xf32>, vector<64x32xf32> -> vector<64x32xf32>
    %add3A_240 = arith.addf %add3A_221, %dot_general3A_239 : vector<64x32xf32>
    %mul3A_241 = arith.constant 32 : i32
    %mul3A_242 = vector.broadcast %mul3A_241 : i32 to vector<64x2048xi32>
    %mul3A_243 = arith.muli %iota3A_89, %mul3A_242 : vector<64x2048xi32>
    %add3A_244 = arith.constant 8 : i32
    %add3A_245 = vector.broadcast %add3A_244 : i32 to vector<64x2048xi32>
    %add3A_246 = arith.addi %mul3A_243, %add3A_245 : vector<64x2048xi32>
    %eq3A_247 = arith.cmpi eq, %iota3A, %add3A_246 : vector<64x2048xi32>
    %convert_element_type3A_248 = arith.extui %eq3A_247 : vector<64x2048xi1> to vector<64x2048xi32>
    %convert_element_type3A_249 = arith.sitofp %convert_element_type3A_248 : vector<64x2048xi32> to vector<64x2048xf32>
    %dot_general3A_250 = arith.constant dense<0.000000e+00> : vector<64x32xf32>
    %dot_general3A_251 = tpu.matmul %convert_element_type3A_249, %max3A_88, %dot_general3A_250 {dimension_numbers = #tpu.dot_dimension_numbers<[1], [0], [0], [1], [0, 0, 1, 1], [], []>, transpose_lhs_hint = false} : vector<64x2048xf32>, vector<2048x32xf32>, vector<64x32xf32> -> vector<64x32xf32>
    %get3A_252 = arith.constant 8 : index
    %get3A_253 = arith.constant 0 : index
    %get3A_254 = arith.constant 0 : index
    %get3A_255 = vector.load %arg5[%get3A_252, %get3A_253, %get3A_254] : memref<28x32x32xf32, #tpu.memory_space<vmem>>, vector<1x32x32xf32>
    %get3A_256 = vector.shape_cast %get3A_255 : vector<1x32x32xf32> to vector<32x32xf32>
    %dot_general3A_257 = arith.constant dense<0.000000e+00> : vector<64x32xf32>
    %dot_general3A_258 = tpu.matmul %dot_general3A_251, %get3A_256, %dot_general3A_257 {dimension_numbers = #tpu.dot_dimension_numbers<[1], [0], [0], [1], [0, 0, 1, 1], [], []>, transpose_lhs_hint = false} : vector<64x32xf32>, vector<32x32xf32>, vector<64x32xf32> -> vector<64x32xf32>
    %add3A_259 = arith.addf %add3A_240, %dot_general3A_258 : vector<64x32xf32>
    %mul3A_260 = arith.constant 32 : i32
    %mul3A_261 = vector.broadcast %mul3A_260 : i32 to vector<64x2048xi32>
    %mul3A_262 = arith.muli %iota3A_89, %mul3A_261 : vector<64x2048xi32>
    %add3A_263 = arith.constant 9 : i32
    %add3A_264 = vector.broadcast %add3A_263 : i32 to vector<64x2048xi32>
    %add3A_265 = arith.addi %mul3A_262, %add3A_264 : vector<64x2048xi32>
    %eq3A_266 = arith.cmpi eq, %iota3A, %add3A_265 : vector<64x2048xi32>
    %convert_element_type3A_267 = arith.extui %eq3A_266 : vector<64x2048xi1> to vector<64x2048xi32>
    %convert_element_type3A_268 = arith.sitofp %convert_element_type3A_267 : vector<64x2048xi32> to vector<64x2048xf32>
    %dot_general3A_269 = arith.constant dense<0.000000e+00> : vector<64x32xf32>
    %dot_general3A_270 = tpu.matmul %convert_element_type3A_268, %max3A_88, %dot_general3A_269 {dimension_numbers = #tpu.dot_dimension_numbers<[1], [0], [0], [1], [0, 0, 1, 1], [], []>, transpose_lhs_hint = false} : vector<64x2048xf32>, vector<2048x32xf32>, vector<64x32xf32> -> vector<64x32xf32>
    %get3A_271 = arith.constant 9 : index
    %get3A_272 = arith.constant 0 : index
    %get3A_273 = arith.constant 0 : index
    %get3A_274 = vector.load %arg5[%get3A_271, %get3A_272, %get3A_273] : memref<28x32x32xf32, #tpu.memory_space<vmem>>, vector<1x32x32xf32>
    %get3A_275 = vector.shape_cast %get3A_274 : vector<1x32x32xf32> to vector<32x32xf32>
    %dot_general3A_276 = arith.constant dense<0.000000e+00> : vector<64x32xf32>
    %dot_general3A_277 = tpu.matmul %dot_general3A_270, %get3A_275, %dot_general3A_276 {dimension_numbers = #tpu.dot_dimension_numbers<[1], [0], [0], [1], [0, 0, 1, 1], [], []>, transpose_lhs_hint = false} : vector<64x32xf32>, vector<32x32xf32>, vector<64x32xf32> -> vector<64x32xf32>
    %add3A_278 = arith.addf %add3A_259, %dot_general3A_277 : vector<64x32xf32>
    %mul3A_279 = arith.constant 32 : i32
    %mul3A_280 = vector.broadcast %mul3A_279 : i32 to vector<64x2048xi32>
    %mul3A_281 = arith.muli %iota3A_89, %mul3A_280 : vector<64x2048xi32>
    %add3A_282 = arith.constant 10 : i32
    %add3A_283 = vector.broadcast %add3A_282 : i32 to vector<64x2048xi32>
    %add3A_284 = arith.addi %mul3A_281, %add3A_283 : vector<64x2048xi32>
    %eq3A_285 = arith.cmpi eq, %iota3A, %add3A_284 : vector<64x2048xi32>
    %convert_element_type3A_286 = arith.extui %eq3A_285 : vector<64x2048xi1> to vector<64x2048xi32>
    %convert_element_type3A_287 = arith.sitofp %convert_element_type3A_286 : vector<64x2048xi32> to vector<64x2048xf32>
    %dot_general3A_288 = arith.constant dense<0.000000e+00> : vector<64x32xf32>
    %dot_general3A_289 = tpu.matmul %convert_element_type3A_287, %max3A_88, %dot_general3A_288 {dimension_numbers = #tpu.dot_dimension_numbers<[1], [0], [0], [1], [0, 0, 1, 1], [], []>, transpose_lhs_hint = false} : vector<64x2048xf32>, vector<2048x32xf32>, vector<64x32xf32> -> vector<64x32xf32>
    %get3A_290 = arith.constant 10 : index
    %get3A_291 = arith.constant 0 : index
    %get3A_292 = arith.constant 0 : index
    %get3A_293 = vector.load %arg5[%get3A_290, %get3A_291, %get3A_292] : memref<28x32x32xf32, #tpu.memory_space<vmem>>, vector<1x32x32xf32>
    %get3A_294 = vector.shape_cast %get3A_293 : vector<1x32x32xf32> to vector<32x32xf32>
    %dot_general3A_295 = arith.constant dense<0.000000e+00> : vector<64x32xf32>
    %dot_general3A_296 = tpu.matmul %dot_general3A_289, %get3A_294, %dot_general3A_295 {dimension_numbers = #tpu.dot_dimension_numbers<[1], [0], [0], [1], [0, 0, 1, 1], [], []>, transpose_lhs_hint = false} : vector<64x32xf32>, vector<32x32xf32>, vector<64x32xf32> -> vector<64x32xf32>
    %add3A_297 = arith.addf %add3A_278, %dot_general3A_296 : vector<64x32xf32>
    %mul3A_298 = arith.constant 32 : i32
    %mul3A_299 = vector.broadcast %mul3A_298 : i32 to vector<64x2048xi32>
    %mul3A_300 = arith.muli %iota3A_89, %mul3A_299 : vector<64x2048xi32>
    %add3A_301 = arith.constant 11 : i32
    %add3A_302 = vector.broadcast %add3A_301 : i32 to vector<64x2048xi32>
    %add3A_303 = arith.addi %mul3A_300, %add3A_302 : vector<64x2048xi32>
    %eq3A_304 = arith.cmpi eq, %iota3A, %add3A_303 : vector<64x2048xi32>
    %convert_element_type3A_305 = arith.extui %eq3A_304 : vector<64x2048xi1> to vector<64x2048xi32>
    %convert_element_type3A_306 = arith.sitofp %convert_element_type3A_305 : vector<64x2048xi32> to vector<64x2048xf32>
    %dot_general3A_307 = arith.constant dense<0.000000e+00> : vector<64x32xf32>
    %dot_general3A_308 = tpu.matmul %convert_element_type3A_306, %max3A_88, %dot_general3A_307 {dimension_numbers = #tpu.dot_dimension_numbers<[1], [0], [0], [1], [0, 0, 1, 1], [], []>, transpose_lhs_hint = false} : vector<64x2048xf32>, vector<2048x32xf32>, vector<64x32xf32> -> vector<64x32xf32>
    %get3A_309 = arith.constant 11 : index
    %get3A_310 = arith.constant 0 : index
    %get3A_311 = arith.constant 0 : index
    %get3A_312 = vector.load %arg5[%get3A_309, %get3A_310, %get3A_311] : memref<28x32x32xf32, #tpu.memory_space<vmem>>, vector<1x32x32xf32>
    %get3A_313 = vector.shape_cast %get3A_312 : vector<1x32x32xf32> to vector<32x32xf32>
    %dot_general3A_314 = arith.constant dense<0.000000e+00> : vector<64x32xf32>
    %dot_general3A_315 = tpu.matmul %dot_general3A_308, %get3A_313, %dot_general3A_314 {dimension_numbers = #tpu.dot_dimension_numbers<[1], [0], [0], [1], [0, 0, 1, 1], [], []>, transpose_lhs_hint = false} : vector<64x32xf32>, vector<32x32xf32>, vector<64x32xf32> -> vector<64x32xf32>
    %add3A_316 = arith.addf %add3A_297, %dot_general3A_315 : vector<64x32xf32>
    %mul3A_317 = arith.constant 32 : i32
    %mul3A_318 = vector.broadcast %mul3A_317 : i32 to vector<64x2048xi32>
    %mul3A_319 = arith.muli %iota3A_89, %mul3A_318 : vector<64x2048xi32>
    %add3A_320 = arith.constant 12 : i32
    %add3A_321 = vector.broadcast %add3A_320 : i32 to vector<64x2048xi32>
    %add3A_322 = arith.addi %mul3A_319, %add3A_321 : vector<64x2048xi32>
    %eq3A_323 = arith.cmpi eq, %iota3A, %add3A_322 : vector<64x2048xi32>
    %convert_element_type3A_324 = arith.extui %eq3A_323 : vector<64x2048xi1> to vector<64x2048xi32>
    %convert_element_type3A_325 = arith.sitofp %convert_element_type3A_324 : vector<64x2048xi32> to vector<64x2048xf32>
    %dot_general3A_326 = arith.constant dense<0.000000e+00> : vector<64x32xf32>
    %dot_general3A_327 = tpu.matmul %convert_element_type3A_325, %max3A_88, %dot_general3A_326 {dimension_numbers = #tpu.dot_dimension_numbers<[1], [0], [0], [1], [0, 0, 1, 1], [], []>, transpose_lhs_hint = false} : vector<64x2048xf32>, vector<2048x32xf32>, vector<64x32xf32> -> vector<64x32xf32>
    %get3A_328 = arith.constant 12 : index
    %get3A_329 = arith.constant 0 : index
    %get3A_330 = arith.constant 0 : index
    %get3A_331 = vector.load %arg5[%get3A_328, %get3A_329, %get3A_330] : memref<28x32x32xf32, #tpu.memory_space<vmem>>, vector<1x32x32xf32>
    %get3A_332 = vector.shape_cast %get3A_331 : vector<1x32x32xf32> to vector<32x32xf32>
    %dot_general3A_333 = arith.constant dense<0.000000e+00> : vector<64x32xf32>
    %dot_general3A_334 = tpu.matmul %dot_general3A_327, %get3A_332, %dot_general3A_333 {dimension_numbers = #tpu.dot_dimension_numbers<[1], [0], [0], [1], [0, 0, 1, 1], [], []>, transpose_lhs_hint = false} : vector<64x32xf32>, vector<32x32xf32>, vector<64x32xf32> -> vector<64x32xf32>
    %add3A_335 = arith.addf %add3A_316, %dot_general3A_334 : vector<64x32xf32>
    %mul3A_336 = arith.constant 32 : i32
    %mul3A_337 = vector.broadcast %mul3A_336 : i32 to vector<64x2048xi32>
    %mul3A_338 = arith.muli %iota3A_89, %mul3A_337 : vector<64x2048xi32>
    %add3A_339 = arith.constant 13 : i32
    %add3A_340 = vector.broadcast %add3A_339 : i32 to vector<64x2048xi32>
    %add3A_341 = arith.addi %mul3A_338, %add3A_340 : vector<64x2048xi32>
    %eq3A_342 = arith.cmpi eq, %iota3A, %add3A_341 : vector<64x2048xi32>
    %convert_element_type3A_343 = arith.extui %eq3A_342 : vector<64x2048xi1> to vector<64x2048xi32>
    %convert_element_type3A_344 = arith.sitofp %convert_element_type3A_343 : vector<64x2048xi32> to vector<64x2048xf32>
    %dot_general3A_345 = arith.constant dense<0.000000e+00> : vector<64x32xf32>
    %dot_general3A_346 = tpu.matmul %convert_element_type3A_344, %max3A_88, %dot_general3A_345 {dimension_numbers = #tpu.dot_dimension_numbers<[1], [0], [0], [1], [0, 0, 1, 1], [], []>, transpose_lhs_hint = false} : vector<64x2048xf32>, vector<2048x32xf32>, vector<64x32xf32> -> vector<64x32xf32>
    %get3A_347 = arith.constant 13 : index
    %get3A_348 = arith.constant 0 : index
    %get3A_349 = arith.constant 0 : index
    %get3A_350 = vector.load %arg5[%get3A_347, %get3A_348, %get3A_349] : memref<28x32x32xf32, #tpu.memory_space<vmem>>, vector<1x32x32xf32>
    %get3A_351 = vector.shape_cast %get3A_350 : vector<1x32x32xf32> to vector<32x32xf32>
    %dot_general3A_352 = arith.constant dense<0.000000e+00> : vector<64x32xf32>
    %dot_general3A_353 = tpu.matmul %dot_general3A_346, %get3A_351, %dot_general3A_352 {dimension_numbers = #tpu.dot_dimension_numbers<[1], [0], [0], [1], [0, 0, 1, 1], [], []>, transpose_lhs_hint = false} : vector<64x32xf32>, vector<32x32xf32>, vector<64x32xf32> -> vector<64x32xf32>
    %add3A_354 = arith.addf %add3A_335, %dot_general3A_353 : vector<64x32xf32>
    %mul3A_355 = arith.constant 32 : i32
    %mul3A_356 = vector.broadcast %mul3A_355 : i32 to vector<64x2048xi32>
    %mul3A_357 = arith.muli %iota3A_89, %mul3A_356 : vector<64x2048xi32>
    %add3A_358 = arith.constant 14 : i32
    %add3A_359 = vector.broadcast %add3A_358 : i32 to vector<64x2048xi32>
    %add3A_360 = arith.addi %mul3A_357, %add3A_359 : vector<64x2048xi32>
    %eq3A_361 = arith.cmpi eq, %iota3A, %add3A_360 : vector<64x2048xi32>
    %convert_element_type3A_362 = arith.extui %eq3A_361 : vector<64x2048xi1> to vector<64x2048xi32>
    %convert_element_type3A_363 = arith.sitofp %convert_element_type3A_362 : vector<64x2048xi32> to vector<64x2048xf32>
    %dot_general3A_364 = arith.constant dense<0.000000e+00> : vector<64x32xf32>
    %dot_general3A_365 = tpu.matmul %convert_element_type3A_363, %max3A_88, %dot_general3A_364 {dimension_numbers = #tpu.dot_dimension_numbers<[1], [0], [0], [1], [0, 0, 1, 1], [], []>, transpose_lhs_hint = false} : vector<64x2048xf32>, vector<2048x32xf32>, vector<64x32xf32> -> vector<64x32xf32>
    %get3A_366 = arith.constant 14 : index
    %get3A_367 = arith.constant 0 : index
    %get3A_368 = arith.constant 0 : index
    %get3A_369 = vector.load %arg5[%get3A_366, %get3A_367, %get3A_368] : memref<28x32x32xf32, #tpu.memory_space<vmem>>, vector<1x32x32xf32>
    %get3A_370 = vector.shape_cast %get3A_369 : vector<1x32x32xf32> to vector<32x32xf32>
    %dot_general3A_371 = arith.constant dense<0.000000e+00> : vector<64x32xf32>
    %dot_general3A_372 = tpu.matmul %dot_general3A_365, %get3A_370, %dot_general3A_371 {dimension_numbers = #tpu.dot_dimension_numbers<[1], [0], [0], [1], [0, 0, 1, 1], [], []>, transpose_lhs_hint = false} : vector<64x32xf32>, vector<32x32xf32>, vector<64x32xf32> -> vector<64x32xf32>
    %add3A_373 = arith.addf %add3A_354, %dot_general3A_372 : vector<64x32xf32>
    %mul3A_374 = arith.constant 32 : i32
    %mul3A_375 = vector.broadcast %mul3A_374 : i32 to vector<64x2048xi32>
    %mul3A_376 = arith.muli %iota3A_89, %mul3A_375 : vector<64x2048xi32>
    %add3A_377 = arith.constant 15 : i32
    %add3A_378 = vector.broadcast %add3A_377 : i32 to vector<64x2048xi32>
    %add3A_379 = arith.addi %mul3A_376, %add3A_378 : vector<64x2048xi32>
    %eq3A_380 = arith.cmpi eq, %iota3A, %add3A_379 : vector<64x2048xi32>
    %convert_element_type3A_381 = arith.extui %eq3A_380 : vector<64x2048xi1> to vector<64x2048xi32>
    %convert_element_type3A_382 = arith.sitofp %convert_element_type3A_381 : vector<64x2048xi32> to vector<64x2048xf32>
    %dot_general3A_383 = arith.constant dense<0.000000e+00> : vector<64x32xf32>
    %dot_general3A_384 = tpu.matmul %convert_element_type3A_382, %max3A_88, %dot_general3A_383 {dimension_numbers = #tpu.dot_dimension_numbers<[1], [0], [0], [1], [0, 0, 1, 1], [], []>, transpose_lhs_hint = false} : vector<64x2048xf32>, vector<2048x32xf32>, vector<64x32xf32> -> vector<64x32xf32>
    %get3A_385 = arith.constant 15 : index
    %get3A_386 = arith.constant 0 : index
    %get3A_387 = arith.constant 0 : index
    %get3A_388 = vector.load %arg5[%get3A_385, %get3A_386, %get3A_387] : memref<28x32x32xf32, #tpu.memory_space<vmem>>, vector<1x32x32xf32>
    %get3A_389 = vector.shape_cast %get3A_388 : vector<1x32x32xf32> to vector<32x32xf32>
    %dot_general3A_390 = arith.constant dense<0.000000e+00> : vector<64x32xf32>
    %dot_general3A_391 = tpu.matmul %dot_general3A_384, %get3A_389, %dot_general3A_390 {dimension_numbers = #tpu.dot_dimension_numbers<[1], [0], [0], [1], [0, 0, 1, 1], [], []>, transpose_lhs_hint = false} : vector<64x32xf32>, vector<32x32xf32>, vector<64x32xf32> -> vector<64x32xf32>
    %add3A_392 = arith.addf %add3A_373, %dot_general3A_391 : vector<64x32xf32>
    %mul3A_393 = arith.constant 32 : i32
    %mul3A_394 = vector.broadcast %mul3A_393 : i32 to vector<64x2048xi32>
    %mul3A_395 = arith.muli %iota3A_89, %mul3A_394 : vector<64x2048xi32>
    %add3A_396 = arith.constant 16 : i32
    %add3A_397 = vector.broadcast %add3A_396 : i32 to vector<64x2048xi32>
    %add3A_398 = arith.addi %mul3A_395, %add3A_397 : vector<64x2048xi32>
    %eq3A_399 = arith.cmpi eq, %iota3A, %add3A_398 : vector<64x2048xi32>
    %convert_element_type3A_400 = arith.extui %eq3A_399 : vector<64x2048xi1> to vector<64x2048xi32>
    %convert_element_type3A_401 = arith.sitofp %convert_element_type3A_400 : vector<64x2048xi32> to vector<64x2048xf32>
    %dot_general3A_402 = arith.constant dense<0.000000e+00> : vector<64x32xf32>
    %dot_general3A_403 = tpu.matmul %convert_element_type3A_401, %max3A_88, %dot_general3A_402 {dimension_numbers = #tpu.dot_dimension_numbers<[1], [0], [0], [1], [0, 0, 1, 1], [], []>, transpose_lhs_hint = false} : vector<64x2048xf32>, vector<2048x32xf32>, vector<64x32xf32> -> vector<64x32xf32>
    %get3A_404 = arith.constant 16 : index
    %get3A_405 = arith.constant 0 : index
    %get3A_406 = arith.constant 0 : index
    %get3A_407 = vector.load %arg5[%get3A_404, %get3A_405, %get3A_406] : memref<28x32x32xf32, #tpu.memory_space<vmem>>, vector<1x32x32xf32>
    %get3A_408 = vector.shape_cast %get3A_407 : vector<1x32x32xf32> to vector<32x32xf32>
    %dot_general3A_409 = arith.constant dense<0.000000e+00> : vector<64x32xf32>
    %dot_general3A_410 = tpu.matmul %dot_general3A_403, %get3A_408, %dot_general3A_409 {dimension_numbers = #tpu.dot_dimension_numbers<[1], [0], [0], [1], [0, 0, 1, 1], [], []>, transpose_lhs_hint = false} : vector<64x32xf32>, vector<32x32xf32>, vector<64x32xf32> -> vector<64x32xf32>
    %add3A_411 = arith.addf %add3A_392, %dot_general3A_410 : vector<64x32xf32>
    %mul3A_412 = arith.constant 32 : i32
    %mul3A_413 = vector.broadcast %mul3A_412 : i32 to vector<64x2048xi32>
    %mul3A_414 = arith.muli %iota3A_89, %mul3A_413 : vector<64x2048xi32>
    %add3A_415 = arith.constant 17 : i32
    %add3A_416 = vector.broadcast %add3A_415 : i32 to vector<64x2048xi32>
    %add3A_417 = arith.addi %mul3A_414, %add3A_416 : vector<64x2048xi32>
    %eq3A_418 = arith.cmpi eq, %iota3A, %add3A_417 : vector<64x2048xi32>
    %convert_element_type3A_419 = arith.extui %eq3A_418 : vector<64x2048xi1> to vector<64x2048xi32>
    %convert_element_type3A_420 = arith.sitofp %convert_element_type3A_419 : vector<64x2048xi32> to vector<64x2048xf32>
    %dot_general3A_421 = arith.constant dense<0.000000e+00> : vector<64x32xf32>
    %dot_general3A_422 = tpu.matmul %convert_element_type3A_420, %max3A_88, %dot_general3A_421 {dimension_numbers = #tpu.dot_dimension_numbers<[1], [0], [0], [1], [0, 0, 1, 1], [], []>, transpose_lhs_hint = false} : vector<64x2048xf32>, vector<2048x32xf32>, vector<64x32xf32> -> vector<64x32xf32>
    %get3A_423 = arith.constant 17 : index
    %get3A_424 = arith.constant 0 : index
    %get3A_425 = arith.constant 0 : index
    %get3A_426 = vector.load %arg5[%get3A_423, %get3A_424, %get3A_425] : memref<28x32x32xf32, #tpu.memory_space<vmem>>, vector<1x32x32xf32>
    %get3A_427 = vector.shape_cast %get3A_426 : vector<1x32x32xf32> to vector<32x32xf32>
    %dot_general3A_428 = arith.constant dense<0.000000e+00> : vector<64x32xf32>
    %dot_general3A_429 = tpu.matmul %dot_general3A_422, %get3A_427, %dot_general3A_428 {dimension_numbers = #tpu.dot_dimension_numbers<[1], [0], [0], [1], [0, 0, 1, 1], [], []>, transpose_lhs_hint = false} : vector<64x32xf32>, vector<32x32xf32>, vector<64x32xf32> -> vector<64x32xf32>
    %add3A_430 = arith.addf %add3A_411, %dot_general3A_429 : vector<64x32xf32>
    %mul3A_431 = arith.constant 32 : i32
    %mul3A_432 = vector.broadcast %mul3A_431 : i32 to vector<64x2048xi32>
    %mul3A_433 = arith.muli %iota3A_89, %mul3A_432 : vector<64x2048xi32>
    %add3A_434 = arith.constant 18 : i32
    %add3A_435 = vector.broadcast %add3A_434 : i32 to vector<64x2048xi32>
    %add3A_436 = arith.addi %mul3A_433, %add3A_435 : vector<64x2048xi32>
    %eq3A_437 = arith.cmpi eq, %iota3A, %add3A_436 : vector<64x2048xi32>
    %convert_element_type3A_438 = arith.extui %eq3A_437 : vector<64x2048xi1> to vector<64x2048xi32>
    %convert_element_type3A_439 = arith.sitofp %convert_element_type3A_438 : vector<64x2048xi32> to vector<64x2048xf32>
    %dot_general3A_440 = arith.constant dense<0.000000e+00> : vector<64x32xf32>
    %dot_general3A_441 = tpu.matmul %convert_element_type3A_439, %max3A_88, %dot_general3A_440 {dimension_numbers = #tpu.dot_dimension_numbers<[1], [0], [0], [1], [0, 0, 1, 1], [], []>, transpose_lhs_hint = false} : vector<64x2048xf32>, vector<2048x32xf32>, vector<64x32xf32> -> vector<64x32xf32>
    %get3A_442 = arith.constant 18 : index
    %get3A_443 = arith.constant 0 : index
    %get3A_444 = arith.constant 0 : index
    %get3A_445 = vector.load %arg5[%get3A_442, %get3A_443, %get3A_444] : memref<28x32x32xf32, #tpu.memory_space<vmem>>, vector<1x32x32xf32>
    %get3A_446 = vector.shape_cast %get3A_445 : vector<1x32x32xf32> to vector<32x32xf32>
    %dot_general3A_447 = arith.constant dense<0.000000e+00> : vector<64x32xf32>
    %dot_general3A_448 = tpu.matmul %dot_general3A_441, %get3A_446, %dot_general3A_447 {dimension_numbers = #tpu.dot_dimension_numbers<[1], [0], [0], [1], [0, 0, 1, 1], [], []>, transpose_lhs_hint = false} : vector<64x32xf32>, vector<32x32xf32>, vector<64x32xf32> -> vector<64x32xf32>
    %add3A_449 = arith.addf %add3A_430, %dot_general3A_448 : vector<64x32xf32>
    %mul3A_450 = arith.constant 32 : i32
    %mul3A_451 = vector.broadcast %mul3A_450 : i32 to vector<64x2048xi32>
    %mul3A_452 = arith.muli %iota3A_89, %mul3A_451 : vector<64x2048xi32>
    %add3A_453 = arith.constant 19 : i32
    %add3A_454 = vector.broadcast %add3A_453 : i32 to vector<64x2048xi32>
    %add3A_455 = arith.addi %mul3A_452, %add3A_454 : vector<64x2048xi32>
    %eq3A_456 = arith.cmpi eq, %iota3A, %add3A_455 : vector<64x2048xi32>
    %convert_element_type3A_457 = arith.extui %eq3A_456 : vector<64x2048xi1> to vector<64x2048xi32>
    %convert_element_type3A_458 = arith.sitofp %convert_element_type3A_457 : vector<64x2048xi32> to vector<64x2048xf32>
    %dot_general3A_459 = arith.constant dense<0.000000e+00> : vector<64x32xf32>
    %dot_general3A_460 = tpu.matmul %convert_element_type3A_458, %max3A_88, %dot_general3A_459 {dimension_numbers = #tpu.dot_dimension_numbers<[1], [0], [0], [1], [0, 0, 1, 1], [], []>, transpose_lhs_hint = false} : vector<64x2048xf32>, vector<2048x32xf32>, vector<64x32xf32> -> vector<64x32xf32>
    %get3A_461 = arith.constant 19 : index
    %get3A_462 = arith.constant 0 : index
    %get3A_463 = arith.constant 0 : index
    %get3A_464 = vector.load %arg5[%get3A_461, %get3A_462, %get3A_463] : memref<28x32x32xf32, #tpu.memory_space<vmem>>, vector<1x32x32xf32>
    %get3A_465 = vector.shape_cast %get3A_464 : vector<1x32x32xf32> to vector<32x32xf32>
    %dot_general3A_466 = arith.constant dense<0.000000e+00> : vector<64x32xf32>
    %dot_general3A_467 = tpu.matmul %dot_general3A_460, %get3A_465, %dot_general3A_466 {dimension_numbers = #tpu.dot_dimension_numbers<[1], [0], [0], [1], [0, 0, 1, 1], [], []>, transpose_lhs_hint = false} : vector<64x32xf32>, vector<32x32xf32>, vector<64x32xf32> -> vector<64x32xf32>
    %add3A_468 = arith.addf %add3A_449, %dot_general3A_467 : vector<64x32xf32>
    %mul3A_469 = arith.constant 32 : i32
    %mul3A_470 = vector.broadcast %mul3A_469 : i32 to vector<64x2048xi32>
    %mul3A_471 = arith.muli %iota3A_89, %mul3A_470 : vector<64x2048xi32>
    %add3A_472 = arith.constant 20 : i32
    %add3A_473 = vector.broadcast %add3A_472 : i32 to vector<64x2048xi32>
    %add3A_474 = arith.addi %mul3A_471, %add3A_473 : vector<64x2048xi32>
    %eq3A_475 = arith.cmpi eq, %iota3A, %add3A_474 : vector<64x2048xi32>
    %convert_element_type3A_476 = arith.extui %eq3A_475 : vector<64x2048xi1> to vector<64x2048xi32>
    %convert_element_type3A_477 = arith.sitofp %convert_element_type3A_476 : vector<64x2048xi32> to vector<64x2048xf32>
    %dot_general3A_478 = arith.constant dense<0.000000e+00> : vector<64x32xf32>
    %dot_general3A_479 = tpu.matmul %convert_element_type3A_477, %max3A_88, %dot_general3A_478 {dimension_numbers = #tpu.dot_dimension_numbers<[1], [0], [0], [1], [0, 0, 1, 1], [], []>, transpose_lhs_hint = false} : vector<64x2048xf32>, vector<2048x32xf32>, vector<64x32xf32> -> vector<64x32xf32>
    %get3A_480 = arith.constant 20 : index
    %get3A_481 = arith.constant 0 : index
    %get3A_482 = arith.constant 0 : index
    %get3A_483 = vector.load %arg5[%get3A_480, %get3A_481, %get3A_482] : memref<28x32x32xf32, #tpu.memory_space<vmem>>, vector<1x32x32xf32>
    %get3A_484 = vector.shape_cast %get3A_483 : vector<1x32x32xf32> to vector<32x32xf32>
    %dot_general3A_485 = arith.constant dense<0.000000e+00> : vector<64x32xf32>
    %dot_general3A_486 = tpu.matmul %dot_general3A_479, %get3A_484, %dot_general3A_485 {dimension_numbers = #tpu.dot_dimension_numbers<[1], [0], [0], [1], [0, 0, 1, 1], [], []>, transpose_lhs_hint = false} : vector<64x32xf32>, vector<32x32xf32>, vector<64x32xf32> -> vector<64x32xf32>
    %add3A_487 = arith.addf %add3A_468, %dot_general3A_486 : vector<64x32xf32>
    %mul3A_488 = arith.constant 32 : i32
    %mul3A_489 = vector.broadcast %mul3A_488 : i32 to vector<64x2048xi32>
    %mul3A_490 = arith.muli %iota3A_89, %mul3A_489 : vector<64x2048xi32>
    %add3A_491 = arith.constant 21 : i32
    %add3A_492 = vector.broadcast %add3A_491 : i32 to vector<64x2048xi32>
    %add3A_493 = arith.addi %mul3A_490, %add3A_492 : vector<64x2048xi32>
    %eq3A_494 = arith.cmpi eq, %iota3A, %add3A_493 : vector<64x2048xi32>
    %convert_element_type3A_495 = arith.extui %eq3A_494 : vector<64x2048xi1> to vector<64x2048xi32>
    %convert_element_type3A_496 = arith.sitofp %convert_element_type3A_495 : vector<64x2048xi32> to vector<64x2048xf32>
    %dot_general3A_497 = arith.constant dense<0.000000e+00> : vector<64x32xf32>
    %dot_general3A_498 = tpu.matmul %convert_element_type3A_496, %max3A_88, %dot_general3A_497 {dimension_numbers = #tpu.dot_dimension_numbers<[1], [0], [0], [1], [0, 0, 1, 1], [], []>, transpose_lhs_hint = false} : vector<64x2048xf32>, vector<2048x32xf32>, vector<64x32xf32> -> vector<64x32xf32>
    %get3A_499 = arith.constant 21 : index
    %get3A_500 = arith.constant 0 : index
    %get3A_501 = arith.constant 0 : index
    %get3A_502 = vector.load %arg5[%get3A_499, %get3A_500, %get3A_501] : memref<28x32x32xf32, #tpu.memory_space<vmem>>, vector<1x32x32xf32>
    %get3A_503 = vector.shape_cast %get3A_502 : vector<1x32x32xf32> to vector<32x32xf32>
    %dot_general3A_504 = arith.constant dense<0.000000e+00> : vector<64x32xf32>
    %dot_general3A_505 = tpu.matmul %dot_general3A_498, %get3A_503, %dot_general3A_504 {dimension_numbers = #tpu.dot_dimension_numbers<[1], [0], [0], [1], [0, 0, 1, 1], [], []>, transpose_lhs_hint = false} : vector<64x32xf32>, vector<32x32xf32>, vector<64x32xf32> -> vector<64x32xf32>
    %add3A_506 = arith.addf %add3A_487, %dot_general3A_505 : vector<64x32xf32>
    %mul3A_507 = arith.constant 32 : i32
    %mul3A_508 = vector.broadcast %mul3A_507 : i32 to vector<64x2048xi32>
    %mul3A_509 = arith.muli %iota3A_89, %mul3A_508 : vector<64x2048xi32>
    %add3A_510 = arith.constant 22 : i32
    %add3A_511 = vector.broadcast %add3A_510 : i32 to vector<64x2048xi32>
    %add3A_512 = arith.addi %mul3A_509, %add3A_511 : vector<64x2048xi32>
    %eq3A_513 = arith.cmpi eq, %iota3A, %add3A_512 : vector<64x2048xi32>
    %convert_element_type3A_514 = arith.extui %eq3A_513 : vector<64x2048xi1> to vector<64x2048xi32>
    %convert_element_type3A_515 = arith.sitofp %convert_element_type3A_514 : vector<64x2048xi32> to vector<64x2048xf32>
    %dot_general3A_516 = arith.constant dense<0.000000e+00> : vector<64x32xf32>
    %dot_general3A_517 = tpu.matmul %convert_element_type3A_515, %max3A_88, %dot_general3A_516 {dimension_numbers = #tpu.dot_dimension_numbers<[1], [0], [0], [1], [0, 0, 1, 1], [], []>, transpose_lhs_hint = false} : vector<64x2048xf32>, vector<2048x32xf32>, vector<64x32xf32> -> vector<64x32xf32>
    %get3A_518 = arith.constant 22 : index
    %get3A_519 = arith.constant 0 : index
    %get3A_520 = arith.constant 0 : index
    %get3A_521 = vector.load %arg5[%get3A_518, %get3A_519, %get3A_520] : memref<28x32x32xf32, #tpu.memory_space<vmem>>, vector<1x32x32xf32>
    %get3A_522 = vector.shape_cast %get3A_521 : vector<1x32x32xf32> to vector<32x32xf32>
    %dot_general3A_523 = arith.constant dense<0.000000e+00> : vector<64x32xf32>
    %dot_general3A_524 = tpu.matmul %dot_general3A_517, %get3A_522, %dot_general3A_523 {dimension_numbers = #tpu.dot_dimension_numbers<[1], [0], [0], [1], [0, 0, 1, 1], [], []>, transpose_lhs_hint = false} : vector<64x32xf32>, vector<32x32xf32>, vector<64x32xf32> -> vector<64x32xf32>
    %add3A_525 = arith.addf %add3A_506, %dot_general3A_524 : vector<64x32xf32>
    %mul3A_526 = arith.constant 32 : i32
    %mul3A_527 = vector.broadcast %mul3A_526 : i32 to vector<64x2048xi32>
    %mul3A_528 = arith.muli %iota3A_89, %mul3A_527 : vector<64x2048xi32>
    %add3A_529 = arith.constant 23 : i32
    %add3A_530 = vector.broadcast %add3A_529 : i32 to vector<64x2048xi32>
    %add3A_531 = arith.addi %mul3A_528, %add3A_530 : vector<64x2048xi32>
    %eq3A_532 = arith.cmpi eq, %iota3A, %add3A_531 : vector<64x2048xi32>
    %convert_element_type3A_533 = arith.extui %eq3A_532 : vector<64x2048xi1> to vector<64x2048xi32>
    %convert_element_type3A_534 = arith.sitofp %convert_element_type3A_533 : vector<64x2048xi32> to vector<64x2048xf32>
    %dot_general3A_535 = arith.constant dense<0.000000e+00> : vector<64x32xf32>
    %dot_general3A_536 = tpu.matmul %convert_element_type3A_534, %max3A_88, %dot_general3A_535 {dimension_numbers = #tpu.dot_dimension_numbers<[1], [0], [0], [1], [0, 0, 1, 1], [], []>, transpose_lhs_hint = false} : vector<64x2048xf32>, vector<2048x32xf32>, vector<64x32xf32> -> vector<64x32xf32>
    %get3A_537 = arith.constant 23 : index
    %get3A_538 = arith.constant 0 : index
    %get3A_539 = arith.constant 0 : index
    %get3A_540 = vector.load %arg5[%get3A_537, %get3A_538, %get3A_539] : memref<28x32x32xf32, #tpu.memory_space<vmem>>, vector<1x32x32xf32>
    %get3A_541 = vector.shape_cast %get3A_540 : vector<1x32x32xf32> to vector<32x32xf32>
    %dot_general3A_542 = arith.constant dense<0.000000e+00> : vector<64x32xf32>
    %dot_general3A_543 = tpu.matmul %dot_general3A_536, %get3A_541, %dot_general3A_542 {dimension_numbers = #tpu.dot_dimension_numbers<[1], [0], [0], [1], [0, 0, 1, 1], [], []>, transpose_lhs_hint = false} : vector<64x32xf32>, vector<32x32xf32>, vector<64x32xf32> -> vector<64x32xf32>
    %add3A_544 = arith.addf %add3A_525, %dot_general3A_543 : vector<64x32xf32>
    %mul3A_545 = arith.constant 32 : i32
    %mul3A_546 = vector.broadcast %mul3A_545 : i32 to vector<64x2048xi32>
    %mul3A_547 = arith.muli %iota3A_89, %mul3A_546 : vector<64x2048xi32>
    %add3A_548 = arith.constant 24 : i32
    %add3A_549 = vector.broadcast %add3A_548 : i32 to vector<64x2048xi32>
    %add3A_550 = arith.addi %mul3A_547, %add3A_549 : vector<64x2048xi32>
    %eq3A_551 = arith.cmpi eq, %iota3A, %add3A_550 : vector<64x2048xi32>
    %convert_element_type3A_552 = arith.extui %eq3A_551 : vector<64x2048xi1> to vector<64x2048xi32>
    %convert_element_type3A_553 = arith.sitofp %convert_element_type3A_552 : vector<64x2048xi32> to vector<64x2048xf32>
    %dot_general3A_554 = arith.constant dense<0.000000e+00> : vector<64x32xf32>
    %dot_general3A_555 = tpu.matmul %convert_element_type3A_553, %max3A_88, %dot_general3A_554 {dimension_numbers = #tpu.dot_dimension_numbers<[1], [0], [0], [1], [0, 0, 1, 1], [], []>, transpose_lhs_hint = false} : vector<64x2048xf32>, vector<2048x32xf32>, vector<64x32xf32> -> vector<64x32xf32>
    %get3A_556 = arith.constant 24 : index
    %get3A_557 = arith.constant 0 : index
    %get3A_558 = arith.constant 0 : index
    %get3A_559 = vector.load %arg5[%get3A_556, %get3A_557, %get3A_558] : memref<28x32x32xf32, #tpu.memory_space<vmem>>, vector<1x32x32xf32>
    %get3A_560 = vector.shape_cast %get3A_559 : vector<1x32x32xf32> to vector<32x32xf32>
    %dot_general3A_561 = arith.constant dense<0.000000e+00> : vector<64x32xf32>
    %dot_general3A_562 = tpu.matmul %dot_general3A_555, %get3A_560, %dot_general3A_561 {dimension_numbers = #tpu.dot_dimension_numbers<[1], [0], [0], [1], [0, 0, 1, 1], [], []>, transpose_lhs_hint = false} : vector<64x32xf32>, vector<32x32xf32>, vector<64x32xf32> -> vector<64x32xf32>
    %add3A_563 = arith.addf %add3A_544, %dot_general3A_562 : vector<64x32xf32>
    %mul3A_564 = arith.constant 32 : i32
    %mul3A_565 = vector.broadcast %mul3A_564 : i32 to vector<64x2048xi32>
    %mul3A_566 = arith.muli %iota3A_89, %mul3A_565 : vector<64x2048xi32>
    %add3A_567 = arith.constant 25 : i32
    %add3A_568 = vector.broadcast %add3A_567 : i32 to vector<64x2048xi32>
    %add3A_569 = arith.addi %mul3A_566, %add3A_568 : vector<64x2048xi32>
    %eq3A_570 = arith.cmpi eq, %iota3A, %add3A_569 : vector<64x2048xi32>
    %convert_element_type3A_571 = arith.extui %eq3A_570 : vector<64x2048xi1> to vector<64x2048xi32>
    %convert_element_type3A_572 = arith.sitofp %convert_element_type3A_571 : vector<64x2048xi32> to vector<64x2048xf32>
    %dot_general3A_573 = arith.constant dense<0.000000e+00> : vector<64x32xf32>
    %dot_general3A_574 = tpu.matmul %convert_element_type3A_572, %max3A_88, %dot_general3A_573 {dimension_numbers = #tpu.dot_dimension_numbers<[1], [0], [0], [1], [0, 0, 1, 1], [], []>, transpose_lhs_hint = false} : vector<64x2048xf32>, vector<2048x32xf32>, vector<64x32xf32> -> vector<64x32xf32>
    %get3A_575 = arith.constant 25 : index
    %get3A_576 = arith.constant 0 : index
    %get3A_577 = arith.constant 0 : index
    %get3A_578 = vector.load %arg5[%get3A_575, %get3A_576, %get3A_577] : memref<28x32x32xf32, #tpu.memory_space<vmem>>, vector<1x32x32xf32>
    %get3A_579 = vector.shape_cast %get3A_578 : vector<1x32x32xf32> to vector<32x32xf32>
    %dot_general3A_580 = arith.constant dense<0.000000e+00> : vector<64x32xf32>
    %dot_general3A_581 = tpu.matmul %dot_general3A_574, %get3A_579, %dot_general3A_580 {dimension_numbers = #tpu.dot_dimension_numbers<[1], [0], [0], [1], [0, 0, 1, 1], [], []>, transpose_lhs_hint = false} : vector<64x32xf32>, vector<32x32xf32>, vector<64x32xf32> -> vector<64x32xf32>
    %add3A_582 = arith.addf %add3A_563, %dot_general3A_581 : vector<64x32xf32>
    %mul3A_583 = arith.constant 32 : i32
    %mul3A_584 = vector.broadcast %mul3A_583 : i32 to vector<64x2048xi32>
    %mul3A_585 = arith.muli %iota3A_89, %mul3A_584 : vector<64x2048xi32>
    %add3A_586 = arith.constant 26 : i32
    %add3A_587 = vector.broadcast %add3A_586 : i32 to vector<64x2048xi32>
    %add3A_588 = arith.addi %mul3A_585, %add3A_587 : vector<64x2048xi32>
    %eq3A_589 = arith.cmpi eq, %iota3A, %add3A_588 : vector<64x2048xi32>
    %convert_element_type3A_590 = arith.extui %eq3A_589 : vector<64x2048xi1> to vector<64x2048xi32>
    %convert_element_type3A_591 = arith.sitofp %convert_element_type3A_590 : vector<64x2048xi32> to vector<64x2048xf32>
    %dot_general3A_592 = arith.constant dense<0.000000e+00> : vector<64x32xf32>
    %dot_general3A_593 = tpu.matmul %convert_element_type3A_591, %max3A_88, %dot_general3A_592 {dimension_numbers = #tpu.dot_dimension_numbers<[1], [0], [0], [1], [0, 0, 1, 1], [], []>, transpose_lhs_hint = false} : vector<64x2048xf32>, vector<2048x32xf32>, vector<64x32xf32> -> vector<64x32xf32>
    %get3A_594 = arith.constant 26 : index
    %get3A_595 = arith.constant 0 : index
    %get3A_596 = arith.constant 0 : index
    %get3A_597 = vector.load %arg5[%get3A_594, %get3A_595, %get3A_596] : memref<28x32x32xf32, #tpu.memory_space<vmem>>, vector<1x32x32xf32>
    %get3A_598 = vector.shape_cast %get3A_597 : vector<1x32x32xf32> to vector<32x32xf32>
    %dot_general3A_599 = arith.constant dense<0.000000e+00> : vector<64x32xf32>
    %dot_general3A_600 = tpu.matmul %dot_general3A_593, %get3A_598, %dot_general3A_599 {dimension_numbers = #tpu.dot_dimension_numbers<[1], [0], [0], [1], [0, 0, 1, 1], [], []>, transpose_lhs_hint = false} : vector<64x32xf32>, vector<32x32xf32>, vector<64x32xf32> -> vector<64x32xf32>
    %add3A_601 = arith.addf %add3A_582, %dot_general3A_600 : vector<64x32xf32>
    %mul3A_602 = arith.constant 32 : i32
    %mul3A_603 = vector.broadcast %mul3A_602 : i32 to vector<64x2048xi32>
    %mul3A_604 = arith.muli %iota3A_89, %mul3A_603 : vector<64x2048xi32>
    %add3A_605 = arith.constant 27 : i32
    %add3A_606 = vector.broadcast %add3A_605 : i32 to vector<64x2048xi32>
    %add3A_607 = arith.addi %mul3A_604, %add3A_606 : vector<64x2048xi32>
    %eq3A_608 = arith.cmpi eq, %iota3A, %add3A_607 : vector<64x2048xi32>
    %convert_element_type3A_609 = arith.extui %eq3A_608 : vector<64x2048xi1> to vector<64x2048xi32>
    %convert_element_type3A_610 = arith.sitofp %convert_element_type3A_609 : vector<64x2048xi32> to vector<64x2048xf32>
    %dot_general3A_611 = arith.constant dense<0.000000e+00> : vector<64x32xf32>
    %dot_general3A_612 = tpu.matmul %convert_element_type3A_610, %max3A_88, %dot_general3A_611 {dimension_numbers = #tpu.dot_dimension_numbers<[1], [0], [0], [1], [0, 0, 1, 1], [], []>, transpose_lhs_hint = false} : vector<64x2048xf32>, vector<2048x32xf32>, vector<64x32xf32> -> vector<64x32xf32>
    %get3A_613 = arith.constant 27 : index
    %get3A_614 = arith.constant 0 : index
    %get3A_615 = arith.constant 0 : index
    %get3A_616 = vector.load %arg5[%get3A_613, %get3A_614, %get3A_615] : memref<28x32x32xf32, #tpu.memory_space<vmem>>, vector<1x32x32xf32>
    %get3A_617 = vector.shape_cast %get3A_616 : vector<1x32x32xf32> to vector<32x32xf32>
    %dot_general3A_618 = arith.constant dense<0.000000e+00> : vector<64x32xf32>
    %dot_general3A_619 = tpu.matmul %dot_general3A_612, %get3A_617, %dot_general3A_618 {dimension_numbers = #tpu.dot_dimension_numbers<[1], [0], [0], [1], [0, 0, 1, 1], [], []>, transpose_lhs_hint = false} : vector<64x32xf32>, vector<32x32xf32>, vector<64x32xf32> -> vector<64x32xf32>
    %add3A_620 = arith.addf %add3A_601, %dot_general3A_619 : vector<64x32xf32>
    %get3A_621 = arith.constant 0 : index
    %get3A_622 = arith.constant 0 : index
    %get3A_623 = vector.load %arg6[%get3A_621, %get3A_622] : memref<1x32xf32, #tpu.memory_space<vmem>>, vector<1x32xf32>
    %add3A_624 = vector.broadcast %get3A_623 : vector<1x32xf32> to vector<64x32xf32>
    %add3A_625 = arith.addf %add3A_620, %add3A_624 : vector<64x32xf32>
    %max3A_626 = arith.constant 0.000000e+00 : f32
    %max3A_627 = vector.broadcast %max3A_626 : f32 to vector<64x32xf32>
    %max3A_628 = arith.maximumf %add3A_625, %max3A_627 : vector<64x32xf32>
    %get3A_629 = arith.constant 0 : index
    %get3A_630 = arith.constant 0 : index
    %get3A_631 = vector.load %arg7[%get3A_629, %get3A_630] : memref<32x10xf32, #tpu.memory_space<vmem>>, vector<32x10xf32>
    %dot_general3A_632 = arith.constant dense<0.000000e+00> : vector<64x10xf32>
    %dot_general3A_633 = tpu.matmul %max3A_628, %get3A_631, %dot_general3A_632 {dimension_numbers = #tpu.dot_dimension_numbers<[1], [0], [0], [1], [0, 0, 1, 1], [], []>, transpose_lhs_hint = false} : vector<64x32xf32>, vector<32x10xf32>, vector<64x10xf32> -> vector<64x10xf32>
    %get3A_634 = arith.constant 0 : index
    %get3A_635 = arith.constant 0 : index
    %get3A_636 = vector.load %arg8[%get3A_634, %get3A_635] : memref<1x10xf32, #tpu.memory_space<vmem>>, vector<1x10xf32>
    %add3A_637 = vector.broadcast %get3A_636 : vector<1x10xf32> to vector<64x10xf32>
    %add3A_638 = arith.addf %dot_general3A_633, %add3A_637 : vector<64x10xf32>
    %reduce_max3A = arith.constant dense<0xFF800000> : vector<64xf32>
    %reduce_max3A_639 = vector.multi_reduction <maximumf>, %add3A_638, %reduce_max3A [1] : vector<64x10xf32> to vector<64xf32>
    %broadcast_in_dim3A_640 = vector.shape_cast %reduce_max3A_639 : vector<64xf32> to vector<64x1xf32>
    %sub3A = vector.broadcast %broadcast_in_dim3A_640 : vector<64x1xf32> to vector<64x10xf32>
    %sub3A_641 = arith.subf %add3A_638, %sub3A : vector<64x10xf32>
    %exp3A = math.exp %sub3A_641 : vector<64x10xf32>
    %reduce_sum3A = arith.constant dense<0.000000e+00> : vector<64xf32>
    %reduce_sum3A_642 = vector.multi_reduction <add>, %exp3A, %reduce_sum3A [1] : vector<64x10xf32> to vector<64xf32>
    %broadcast_in_dim3A_643 = vector.shape_cast %reduce_sum3A_642 : vector<64xf32> to vector<64x1xf32>
    %div3A = vector.broadcast %broadcast_in_dim3A_643 : vector<64x1xf32> to vector<64x10xf32>
    %div3A_644 = arith.divf %exp3A, %div3A : vector<64x10xf32>
    %swap3A = arith.constant 0 : index
    %swap3A_645 = arith.constant 0 : index
    %swap3A_646 = vector.load %arg9[%swap3A, %swap3A_645] : memref<64x10xf32, #tpu.memory_space<vmem>>, vector<64x10xf32>
    tpu.vector_store %arg9[%swap3A, %swap3A_645], %div3A_644 {strides = array<i32>} : memref<64x10xf32, #tpu.memory_space<vmem>>, vector<64x10xf32>,
    return
  }
}

</mosaic_0001>

<sc_bundles>
// kernel: gather_offload_async_start
scs
__scs_entry_jumppad:
0x0: {  	(pc) =	sbr.rel $0x88, $3  }
0x1: {  	(tag) =	ssettag $0x0;
	lr =	simm.s32 $0x1  }
0x2: {  	[smem:$0x3F8D] =	sst lr;
	_ =	strace $0xD0000000  }
0x3: {  	_ = 	snop  }
0x4: {  	_ = 	snop  }
0x5: {  	_ = 	snop  }
0x6: {  	_ = 	snop  }
0x7: {  	_ = 	snop  }
__scs_overlays_trampoline_lowered:
0x8: {  	[smem:$0x3F9C] =	sst s0  }
0x9: {  	[smem:$0x3F9D] =	sst s1  }
0xa: {  	[smem:$0x3F9E] =	sst s2  }
0xb: {  	[smem:$0x3F9F] =	sst s3  }
0xc: {  	[smem:$0x3FA0] =	sst s4  }
0xd: {  	[smem:$0x3FA1] =	sst s5  }
0xe: {  	[smem:$0x3FA2] =	sst s6  }
0xf: {  	[smem:$0x3FA3] =	sst s7  }
0x10: {  	[smem:$0x3FA4] =	sst s8  }
0x11: {  	[smem:$0x3FA5] =	sst s9;
	s0 =	simm.s32 @!p0 $0x0  }
0x12: {  	s1 =	sld [smem:$0x3F8B];
	s0 =	simm.s32 @p0 $0x1  }
0x13: {  	[smem:$0x3FA6] =	sst s0;
	s0 =	simm.s32 @!p1 $0x0  }
0x14: {  	s2 =	sld [smem:$0x3F8A];
	s0 =	simm.s32 @p1 $0x1  }
0x15: {  	[smem:$0x3FA7] =	sst s0;
	s0 =	simm.s32 @!p2 $0x0  }
0x16: {  	s3 =	sld [smem:$0x3FDB];
	s0 =	simm.s32 @p2 $0x1  }
0x17: {  	s4 =	simm.s32 $0x1BF5;
	[smem:$0x3FA9] =	sst s0  }
0x18: {  	s0 =	sld [smem:$0x3F8C];
	_ =	swait.ge [sflag:s4], $0x0  }
0x19: {  	s7 =	sld [smem:$0x3F8D]  }
0x1a: {  	s8 =	sadd.s32 $0xFFFFE003, lr  }
0x1b: {  	s9 =	sadd.s32 $0xFFFFFEF7, lr;
	s5 =	simm.s32 $0xFFFFFFFF;
	p2 =	slt.u32 s8, $0xFFFFF086  }
0x1c: {  	p1 =	slt.u32 s9, $0xF7A;
	s5 =	simm.s32 @!p2 $0x0  }
0x1d: {  	s5 =	simm.s32 @p1 $0x1;
	p0 =	seq.s32 s7, s2  }
0x1e: {  	s7 =	smul.u32 @!p0 $0xF7A, s2;
	p2 =	seq.s32 @!p0 s5, $0x0  }
0x1f: {  	s9 =	smul.u32 $0xF7A, s1;
	s8 =	simm.s32 @!p0 $0x1BF5;
	p2 =	por !p2, p0  }
0x20: {  	[sflag:s8] =	ssyncset.s32 @!p0 $0xFFFFF086;
	s6 =	sadd.s32 @!p0 s3, s7;
	s7 =	simm.s32 @!p0 $0x108  }
0x21: {  	s3 =	sadd.s32 s3, s9;
	s6 =	sadd.s32 @!p0 $0x88, s6;
	s7 =	simm.s32 @p2 $0x1082  }
0x22: {  	[simem:s7], [sflag:s8] =	dma.local @!p0 [hbm:s6], $0xF7A  }
0x23: {  	s9 =	sor.u32 $0xD0000000, s2;
	s6 =	simm.s32 $0x108;
	_ =	swait.ge @!p0 [sflag:s8], $0x0  }
0x24: {  	s3 =	sadd.s32 $0x88, s3;
	s6 =	simm.s32 @!p1 $0x1082;
	[sflag:s4] =	ssyncset.s32 $0xFFFFF086  }
0x25: {  	[simem:s6], [sflag:s4] =	dma.local [hbm:s3], $0xF7A  }
0x26: {  	[smem:$0x3F8D] =	sst s1;
	(tag) =	ssettag s2;
	_ =	strace s9  }
0x27: {  	s1 =	sld [smem:$0x3F9D]  }
0x28: {  	s2 =	sld [smem:$0x3F9E]  }
0x29: {  	s4 =	sld [smem:$0x3FA0]  }
0x2a: {  	p0 =	seq.s32 s5, $0x0;
	s5 =	sld [smem:$0x3FA1]  }
0x2b: {  	s6 =	sld [smem:$0x3FA2]  }
0x2c: {  	s7 =	sld [smem:$0x3FA3]  }
0x2d: {  	s3 =	simm.s32 $0x108;
	s8 =	sld [smem:$0x3FA4]  }
0x2e: {  	s3 =	simm.s32 @!p0 $0x1082;
	s9 =	sld [smem:$0x3FA5]  }
0x2f: {  	lr =	sadd.s32 s0, s3;
	s0 =	sld [smem:$0x3F9C]  }
0x30: {  	s3 =	sld [smem:$0x3F9F]  }
0x31: {  	[smem:$0x3FA8] =	sst s10  }
0x32: {  	s10 =	sld [smem:$0x3FA6];
	_ =	sdelay $0x3  }
0x33: {  	p0 =	seq.s32 s10, $0x1;
	s10 =	sld [smem:$0x3FA8];
	_ =	sdelay $0x3  }
0x34: {  	[smem:$0x3FA8] =	sst s10  }
0x35: {  	s10 =	sld [smem:$0x3FA7];
	_ =	sdelay $0x3  }
0x36: {  	p1 =	seq.s32 s10, $0x1;
	s10 =	sld [smem:$0x3FA8];
	_ =	sdelay $0x3  }
0x37: {  	[smem:$0x3FA8] =	sst s10  }
0x38: {  	s10 =	sld [smem:$0x3FA9]  }
0x39: {  	_ = 	snop;
	(pc) =	sbr.ind lr, $3  }
0x3a: {  	_ = 	snop  }
0x3b: {  	_ = 	snop  }
0x3c: {  	p2 =	seq.s32 s10, $0x1;
	s10 =	sld [smem:$0x3FA8]  }
0x3d: {  	_ =	shalt  }
0x3e: {  	_ =	shalt  }
0x3f: {  	_ =	shalt  }
0x40: {  	_ =	shalt  }
0x41: {  	_ =	shalt  }
0x42: {  	_ =	shalt  }
0x43: {  	_ =	shalt  }
0x44: {  	_ =	shalt  }
0x45: {  	_ =	shalt  }
0x46: {  	_ =	shalt  }
0x47: {  	_ =	shalt  }
0x48: {  	_ =	shalt  }
0x49: {  	_ =	shalt  }
0x4a: {  	_ =	shalt  }
0x4b: {  	_ =	shalt  }
0x4c: {  	_ =	shalt  }
0x4d: {  	_ =	shalt  }
0x4e: {  	_ =	shalt  }
0x4f: {  	_ =	shalt  }
0x50: {  	_ =	shalt  }
0x51: {  	_ =	shalt  }
0x52: {  	_ =	shalt  }
0x53: {  	_ =	shalt  }
0x54: {  	_ =	shalt  }
0x55: {  	_ =	shalt  }
0x56: {  	_ =	shalt  }
0x57: {  	_ =	shalt  }
0x58: {  	_ =	shalt  }
0x59: {  	_ =	shalt  }
0x5a: {  	_ =	shalt  }
0x5b: {  	_ =	shalt  }
0x5c: {  	_ =	shalt  }
0x5d: {  	_ =	shalt  }
0x5e: {  	_ =	shalt  }
0x5f: {  	_ =	shalt  }
0x60: {  	_ =	shalt  }
0x61: {  	_ =	shalt  }
0x62: {  	_ =	shalt  }
0x63: {  	_ =	shalt  }
0x64: {  	_ =	shalt  }
0x65: {  	_ =	shalt  }
0x66: {  	_ =	shalt  }
0x67: {  	_ =	shalt  }
0x68: {  	_ =	shalt  }
0x69: {  	_ =	shalt  }
0x6a: {  	_ =	shalt  }
0x6b: {  	_ =	shalt  }
0x6c: {  	_ =	shalt  }
0x6d: {  	_ =	shalt  }
0x6e: {  	_ =	shalt  }
0x6f: {  	_ =	shalt  }
0x70: {  	_ =	shalt  }
0x71: {  	_ =	shalt  }
0x72: {  	_ =	shalt  }
0x73: {  	_ =	shalt  }
0x74: {  	_ =	shalt  }
0x75: {  	_ =	shalt  }
0x76: {  	_ =	shalt  }
0x77: {  	_ =	shalt  }
0x78: {  	_ =	shalt  }
0x79: {  	_ =	shalt  }
0x7a: {  	_ =	shalt  }
0x7b: {  	_ =	shalt  }
0x7c: {  	_ =	shalt  }
0x7d: {  	_ =	shalt  }
0x7e: {  	_ =	shalt  }
0x7f: {  	_ =	shalt  }
0x80: {  	_ =	shalt  }
0x81: {  	_ =	shalt  }
0x82: {  	_ =	shalt  }
0x83: {  	_ =	shalt  }
0x84: {  	_ =	shalt  }
0x85: {  	_ =	shalt  }
0x86: {  	_ =	shalt  }
0x87: {  	_ =	shalt  }
.Lfunc_end0:
.L_simem_size_0:
called_computation_lowered:
.L_overlay_start_0:
0x88: {  	s0 =	sld [smem:$0x3FD9]  }
0x89: {  	s1 =	sld [smem:$0x3FFE];
	_ =	sdelay $0x3  }
0x8a: {  	s0 =	sadd.s32 s1, s0  }
0x8b: {  	[smem:$0x3FB4] =	sst s0  }
0x8c: {  	_ = 	snop  }
0x8d: {  	s0 =	sld [smem:$0x3FC6];
	(tm) =	ssettm $0x1  }
0x8e: {  	s16 =	sld [smem:$0x3FFB];
	_ =	sdelay $0x3  }
0x8f: {  	_ =	strace s16  }
0x90: {  	s1 =	sld [smem:$0x3FFC];
	_ =	sdelay $0x3  }
0x91: {  	_ =	strace s1  }
0x92: {  	s1 =	sld [smem:$0x3FFD];
	_ =	sdelay $0x3  }
0x93: {  	_ =	strace s1  }
0x94: {  	_ =	strace $0x8FFFFFFF  }
0x95: {  	s17 =	sld [smem:$0x3FDB];
	_ =	sdelay $0x1  }
0x96: {  	s2 =	simm.s32 $_scs_section_size  }
0x97: {  	s3 =	simm.s32 $_size__tile_overlayer_lowered;
	s4 =	simm.s32 $_tile_overlayer_lowered  }
0x98: {  	s20 =	simm.s32 $0x1BFF;
	s19 =	sshll.u32 s4, $0x1;
	s1 =	sadd.s32 s2, s17  }
0x99: {  	s5 =	simm.s32 $0x0;
	s18 =	sshll.u32 s3, $0x1;
	s3 =	sadd.s32 s19, s1  }
0x9a: {  	[timem:s5], [sflag:s20] =	dma.local [hbm:s3], s18  }
0x9b: {  	_ =	swait.ge [sflag:s20], s18  }
0x9c: {  	s2 =	ssub.s32 $0x0, s18;
	[sflag:s20] =	ssyncset.done $0x0  }
0x9d: {  	[sflag:s20] =	ssyncadd.s32 s2;
	_ =	sdelay $0x1  }
0x9e: {  	s21 =	simm.s32 $0x1B8B  }
0x9f: {  	_ =	swait.ge [sflag:s21], $0x1  }
0xa0: {  	[sflag:s21] =	ssyncset.done $0x0  }
0xa1: {  	s23 =	simm.s32 $0x1B8E;
	s22 =	sld [smem:$0x3FFE];
	[sflag:s21] =	ssyncadd.s32 $0xFFFFFFFF  }
0xa2: {  	s24 =	simm.s32 $execute0_lowered;
	[smem:$0x3FD2] =	sst s23  }
0xa3: {  	s3 =	sshll.u32 s24, $0x1;
	_ =	strace $0x80000046;
	[dreg:$0x1] =	wrdreg $0xFFFFFFFF  }
0xa4: {  	s25 =	simm.s32 $_size_execute0_lowered;
	s1 =	sadd.s32 s1, s3;
	[dreg:$0x0] =	wrdreg $0x0  }
0xa5: {  	s3 =	sshll.u32 s25, $0x1;
	[dreg:$0x2] =	wrdreg s1  }
0xa6: {  	[dreg:$0x3] =	wrdreg s3  }
0xa7: {  	[dreg:$0x4] =	wrdreg $0xC0  }
0xa8: {  	_ =	task [dreg:s5], $0x5FFFF  }
0xa9: {  	[dreg:$0x1] =	wrdreg $0xFFFFFFFF  }
0xaa: {  	[dreg:$0x0] =	wrdreg $0x60  }
0xab: {  	[dreg:$0x2] =	wrdreg s0  }
0xac: {  	[dreg:$0x3] =	wrdreg s22  }
0xad: {  	[dreg:$0x4] =	wrdreg $0x9  }
0xae: {  	_ =	task.clear_ibuf [dreg:s5], $0x5FFFF;
	_ =	strace $0x90000046  }
0xaf: {  	s26 =	simm.s32 $0x9;
	_ =	strace $0x80000048  }
0xb0: {  	_ =	swait.ge [sflag:s26], $0x1  }
0xb1: {  	[sflag:s26] =	ssyncadd.s32 $0xFFFFFFFF  }
0xb2: {  	_ =	strace $0x90000048  }
0xb3: {  	_ =	sfence  }
0xb4: {  	s28 =	sld [smem:$0x0];
	_ =	sdelay $0x1  }
0xb5: {  	s29 =	srdreg.scid  }
0xb6: {  	s30 =	sshll.u32 s29, $0xD;
	s31 =	sshrl.u32 s29, $0x2  }
0xb7: {  	s2 =	sand.u32 $0x4000, s30;
	s1 =	sand.u32 $0x1, s29;
	s0 =	sadd.s32 s31, s28  }
0xb8: {  	s1 =	sor.u32 s2, s1;
	s0 =	sshll.u32 s0, $0x11  }
0xb9: {  	s0 =	sor.u32 s0, s1  }
0xba: {  	s0 =	sadd.s32 $0x8F2B, s0  }
0xbb: {  	[sflag:s0] =	ssyncadd.remote.s32 $0x1  }
0xbc: {  	_ =	sfence.sel $0xFFFF  }
0xbd: {  	[dreg:$0x0] =	wrdreg $0xFFFFFFFF;
	(pc) =	sbr.abs _section_cstart, $3  }
0xbe: {  	[dreg:$0x1] =	wrdreg $0xFFFFFFFF  }
0xbf: {  	_ =	task.clear_ibuf [dreg:s5], $0x2FFFF;
	_ =	strace $0x9FFFFFFF  }
0xc0: {  	(tm) =	ssettm $0x7FFFFFFF  }
0xc1: {  	_ =	shalt  }
tec
execute0_lowered:
.L_overlay_start_1:
0x0: {  	(tag) =	ssettag $0x1  }
0x1: {  	s0 =	stileid.u32  }
0x2: {  	s1 =	smin.u32 s0, $0x9  }
0x3: {  	s1 =	sadd.s32 s0, s1  }
0x4: {  	s2 =	simm.s32 $0x320;
	p0 =	slt.u32 s0, $0x9;
	s1 =	smul.u32 $0x190, s1  }
0x5: {  	s2 =	simm.s32 @!p0 $0x190  }
0x6: {  	s2 =	sadd.s32 s2, s1  }
0x7: {  	s3 =	smin.u32 s2, $0x2710  }
0x8: {  	s7 =	ssub.s32 s3, s1  }
0x9: {  	p0 =	sgt.s32 s7, $0x0  }
0xa: {  	s7 =	simm.s32 @!p0 $0x0  }
0xb: {  	s31 =	sand.u32 $0xFFF0, s7  }
0xc: {  	s2 =	sshrl.u32 s31, $0x4  }
0xd: {  	s4 =	rddreg [dreg:$0x0];
	s2 =	smul.u32 $0xA3E, s2  }
0xe: {  	s9 =	rddreg [dreg:$0x1];
	s6 =	simm.s32 $0x1  }
0xf: {  	s11 =	simm.s32 $0x3;
	s13 =	simm.s32 $0x0;
	s8 =	sshrl.u32 s2, $0x10  }
0x10: {  	s12 =	simm.s32 $0x0;
	s5 =	sadd.s32 $0x4600, s9;
	s10 =	smul.u32 $0x190, s8  }
.Ltmp0:
0x11: {  	s9 =	sadd.s32 $0x4C00, s9;
	s2 =	rddreg [dreg:$0x2];
	(pc) =	sbr.rel .LBB2_1-.Ltmp0, $4  }
0x12: {  	_ =	strace $0x80000047;
	p0 =	sne.s32 s7, s10;
	s10 =	simm.s32 $0x1  }
0x13: {  	[sflag:s6] =	ssyncpa.u1 $0x0;
	s7 =	simm.s32 $0x2;
	s10 =	simm.s32 @!p0 $0x0  }
0x14: {  	[sflag:s7] =	ssyncpa.u1 $0x0;
	p0 =	por $0x0, $0x0;
	s8 =	sadd.s32 s8, s10  }
0x15: {  	vm0 =	vmmov $0xff;
	vm1 =	vcmask $0x3F20;
	[sflag:s11] =	ssyncpa.u1 $0x0;
	s11 =	smov.u32 s1;
	s10 =	sadd.s32 $0x1, s8  }
.LBB2_6:
0x16: {  	[hbm:s17] =	stream.linear.scatter [tilespmem:s14], [sflag:$0x3], $0x400, $0x38;
	[tilespmem:$0x19320] =	vst v63  }
.LBB2_7:
0x17: {  	s13 =	sadd.s32 $0x190, s11  }
0x18: {  	s15 =	smov.u32 s1;
	p2 =	slt.s32 s13, s3  }
0x19: {  	s15 =	smov.u32 @p2 s13;
	p2 =	sne.s32 s12, s10  }
.Ltmp1:
0x1a: {  	p1 =	slt.u32 s12, $0x2;
	(pc) =	sbr.rel @!p2 .LBB2_8-.Ltmp1, $4  }
0x1b: {  	s14 =	simm.s32 @!p1 $0x3  }
0x1c: {  	s16 =	sadd.s32 $0x1, s12;
	_ =	swait.ge @!p1 [sflag:s14], $0xC800  }
0x1d: {  	p0 =	por !p0, !p0;
	s13 =	smov.u32 s11;
	[sflag:s14] =	ssyncset.done @!p1 $0x0  }
0x1e: {  	s12 =	smov.u32 s16;
	s11 =	smov.u32 s15;
	[sflag:s14] =	ssyncadd.s32 @!p1 $0xFFFF3800  }
.LBB2_1:
0x1f: {  	p1 =	sge.u32 s12, s8  }
0x20: {  	s14 =	sxor.u32 @!p1 $0xFFFFFFFF, s12  }
0x21: {  	s14 =	sand.u32 @!p1 $0x1, s14  }
0x22: {  	s14 =	smul.u32 @!p1 $0x640, s14  }
0x23: {  	s31 =	sadd.s32 $0xFFFFFFFF, s12;
	s15 =	sshrl.u32 @!p1 s11, $0x3  }
0x24: {  	s16 =	sand.u32 @!p1 $0x7, s11;
	s15 =	sadd.s32 @!p1 s5, s15;
	s14 =	sshrl.u32 @!p1 s14, $0x2  }
0x25: {  	[tilespmem:s14], [sflag:$0x2] =	stream.linear.gather @!p1 [hbm4b:s15+s16], $0x190, $0x38;
	[tilespmem:$0x19320] =	vst v63  }
0x26: {  	p1 =	sge.u32 s31, s8  }
.Ltmp2:
0x27: {  	_ = 	snop;
	(pc) =	sbr.rel @p1 .LBB2_7-.Ltmp2, $1  }
0x28: {  	_ =	sdelay $0x3  }
0x29: {  	s14 =	simm.s32 $0x1  }
0x2a: {  	s14 =	simm.s32 @!p0 $0x0  }
0x2b: {  	s15 =	smul.u32 $0x640, s14  }
0x2c: {  	_ =	swait.ge [sflag:s7], $0x190  }
0x2d: {  	[sflag:s7] =	ssyncset.done $0x0;
	s16 =	sshrl.u32 s15, $0x2  }
0x2e: {  	[sflag:s7] =	ssyncadd.s32 $0xFFFFFE70;
	s15 =	sadd.s32 $0x0, s16  }
0x2f: {  	v0 =	vld.msk [tilespmem:s15+$0x0 ss:$0x1], $0xffff;
	_ =	sdelay $0x4  }
0x30: {  	vm2 =	vgt.s32 v0, $0x0  }
0x31: {  	v0 =	vnsel vm2, $0x0, v0  }
0x32: {  	v0 =	vmin.u32 v0, $0x270F  }
0x33: {  	v0 =	vshll.u32 v0, $0x4  }
0x34: {  	s14 =	smul.u32 $0x32000, s14;
	_ =	sdelay $0x1  }
0x35: {  	s14 =	sshrl.u32 s14, $0x2  }
0x36: {  	s14 =	sor.u32 $0x320, s14  }
0x37: {  	[tilespmem:s14], [sflag:$0x1] =	stream.indirect_vreg.gather [hbm:s4], $0x80, v0, vm0, $0x38;
	[tilespmem:$0x19320] =	vst v63  }
0x38: {  	s17 =	sadd.s32 $0x10, s16;
	s15 =	sadd.s32 $0x400, s14  }
0x39: {  	[tilespmem:s15], [sflag:$0x1] =	stream.indirect_vreg.gather [hbm:s4], $0x80, v0, vm1, $0x38;
	[tilespmem:$0x19320] =	vst v63  }
0x3a: {  	s18 =	simm.s32 $0x80;
	v0 =	vld.msk [tilespmem:s17+$0x0 ss:$0x1], $0xffff;
	s17 =	smov.u32 s14  }
.LBB2_3:
0x3b: {  	p1 =	sne.s32 s18, $0x600;
	_ =	sdelay $0x4  }
0x3c: {  	vm2 =	vgt.s32 v0, $0x0  }
0x3d: {  	v0 =	vnsel vm2, $0x0, v0  }
0x3e: {  	v0 =	vmin.u32 v0, $0x270F  }
0x3f: {  	v0 =	vshll.u32 v0, $0x4;
	_ =	sdelay $0x3  }
.Ltmp3:
0x40: {  	s19 =	sshra.s32 s18, $0x2;
	s17 =	sadd.s32 $0x800, s17;
	(pc) =	sbr.rel @p1 .LBB2_3-.Ltmp3, $4  }
0x41: {  	[tilespmem:s17], [sflag:$0x1] =	stream.indirect_vreg.gather [hbm:s4], $0x80, v0, vm0, $0x38;
	[tilespmem:$0x19320] =	vst v63  }
0x42: {  	s19 =	sadd.s32 s19, s16;
	s20 =	sadd.s32 $0x400, s17  }
0x43: {  	[tilespmem:s20], [sflag:$0x1] =	stream.indirect_vreg.gather [hbm:s4], $0x80, v0, vm1, $0x38;
	[tilespmem:$0x19320] =	vst v63  }
0x44: {  	s18 =	sadd.s32 $0x40, s18;
	v0 =	vld.msk [tilespmem:s19+$0x0 ss:$0x1], $0xffff  }
0x45: {  	_ =	sdelay $0x3  }
0x46: {  	vm2 =	vgt.s32 v0, $0x0  }
0x47: {  	v0 =	vnsel vm2, $0x0, v0  }
0x48: {  	v0 =	vmin.u32 v0, $0x270F  }
0x49: {  	v0 =	vshll.u32 v0, $0x4;
	_ =	sdelay $0x3  }
0x4a: {  	s16 =	sadd.s32 $0x800, s17  }
0x4b: {  	[tilespmem:s16], [sflag:$0x1] =	stream.indirect_vreg.gather [hbm:s4], $0x80, v0, vm0, $0x38;
	[tilespmem:$0x19320] =	vst v63  }
0x4c: {  	s16 =	sadd.s32 $0x400, s16  }
0x4d: {  	[tilespmem:s16], [sflag:$0x1] =	stream.indirect_vreg.gather [hbm:s4], $0x80, v0, vm1, $0x38;
	[tilespmem:$0x19320] =	vst v63  }
0x4e: {  	s13 =	sshll.u32 s13, $0x4;
	_ =	swait.ge [sflag:s6], $0xC800  }
0x4f: {  	s13 =	sadd.s32 s13, s9;
	[sflag:s6] =	ssyncset.done $0x0  }
0x50: {  	s17 =	sadd.s32 $0x0, s13;
	s16 =	simm.s32 $0x80;
	[sflag:s6] =	ssyncadd.s32 $0xFFFF3800  }
.LBB2_5:
0x51: {  	[hbm:s17] =	stream.linear.scatter [tilespmem:s14], [sflag:$0x3], $0x400, $0x38;
	[tilespmem:$0x19320] =	vst v63  }
0x52: {  	s17 =	smov.u32 s16;
	s14 =	smov.u32 s15;
	p1 =	sne.s32 s16, $0x1880  }
.Ltmp4:
0x53: {  	s16 =	sadd.s32 $0x80, s16;
	(pc) =	sbr.rel @p1 .LBB2_5-.Ltmp4, $2  }
0x54: {  	_ =	sdelay $0x2  }
0x55: {  	s15 =	sadd.s32 $0x400, s15;
	s17 =	sadd.s32 s17, s13  }
.Ltmp5:
0x56: {  	_ = 	snop;
	(pc) =	sbr.rel .LBB2_6-.Ltmp5, $1  }
0x57: {  	_ =	sdelay $0x3  }
.LBB2_8:
0x58: {  	_ =	sfence.sel $0x180000  }
0x59: {  	s1 =	simm.s32 $0x2;
	[bflag:$0x0] =	sbarrier.arrive $0xFFFF  }
0x5a: {  	s30 =	simm.s32 $0x3;
	[sflag:s1] =	ssyncpa.u1 $0x1  }
0x5b: {  	s31 =	simm.s32 $0x1;
	[sflag:s30] =	ssyncpa.u1 $0x1  }
0x5c: {  	[sflag:s31] =	ssyncpa.u1 $0x1  }
0x5d: {  	p0 =	sne.s32 s0, $0x0;
	_ =	strace $0x90000047  }
0x5e: {  	s0 =	sadd.s32 @!p0 $0x100000, s2;
	[bflag:$0x2] =	sbarrier.arrive $0xFFFF  }
0x5f: {  	[sflag:s0] =	ssyncadd.tile.s32 @!p0 $0x1;
	_ =	shalt  }
.Lfunc_end2:
_tile_overlayer_lowered:
.L_overlay_start_2:
0x60: {  	(tag) =	ssettag $0x2  }
0x61: {  	s0 =	rddreg [dreg:$0x0];
	s2 =	stileid.u32  }
0x62: {  	s1 =	rddreg [dreg:$0x1];
	p0 =	sne.s32 s2, $0x0  }
0x63: {  	s3 =	rddreg [dreg:$0x2];
	[bflag:$0x3] =	sbarrier.arrive $0xFFFF;
	s2 =	simm.s32 @!p0 $0x1C01  }
0x64: {  	[timem:s3], [sflag:s2] =	dma.local @!p0 [hbm:s0], s1  }
0x65: {  	s0 =	simm.s32 @!p0 $0x1  }
0x66: {  	_ =	swait.ge @!p0 [sflag:s0], s1  }
0x67: {  	s1 =	ssub.s32 @!p0 $0x0, s1;
	[sflag:s0] =	ssyncset.done @!p0 $0x0  }
0x68: {  	[sflag:s0] =	ssyncadd.s32 @!p0 s1  }
0x69: {  	[bflag:$0x3] =	sbarrier.arrive $0xFFFF  }
0x6a: {  	_ =	shalt  }

</sc_bundles>
